<compile_context>
chip_gen: v7x
topology: tpu7x:2x2x1
jax: 0.10.2.dev20260603
libtpu: 0.0.44.dev20260713+nightly
codegen_flags: <defaults>
</compile_context>

<pallas_src>
import functools

import jax
import jax.numpy as jnp
from jax import lax
from jax.experimental import pallas as pl
from jax.experimental.pallas import tpu as pltpu
from jax.experimental.pallas import tpu_sc as plsc

CH = 128
F = 32
B = 1024
K = 50
N = B * K
N0 = N // 2
N1 = N - N0
NUM_RES = 4
PAD = 1024
BLK = 1024
NB0 = N0 // BLK
NBD = N // BLK
NBT = (N + PAD) // BLK

NTILES = 32
UB = 8
SLOTS = N // 16
NV = N // 16
PCHUNK = N // NTILES
GC = 80
NGC = PCHUNK // GC


def _enc_body(x0_ref, x1_ref, win_ref, bin_ref, wres_ref, bres_ref, wout_ref,
              bout_ref, out_ref):
    pid = pl.program_id(0)
    x = jnp.where(pid < NB0, x0_ref[...], x1_ref[...])
    x = jnp.where(jnp.isnan(x), 0.0, x)
    x = jnp.where(x == jnp.inf, 1e6, x)
    x = jnp.where(x == -jnp.inf, -1e6, x)
    dot = functools.partial(jnp.dot, preferred_element_type=jnp.float32)
    w_in = win_ref[0]
    h = jax.nn.relu(
        lax.dot_general(x, w_in, (((0,), (0,)), ((), ())),
                        preferred_element_type=jnp.float32) + bin_ref[0, 0])
    for i in range(NUM_RES):
        h = h + jax.nn.relu(dot(h, wres_ref[0, i]) + bres_ref[0, i])
    y = dot(h, wout_ref[0]) + bout_ref[0, 0]
    out_ref[...] = jnp.where(pid >= NBD, jnp.zeros_like(y), y)


def _encode_all(x0, x1, W_in, b_in, W_res, b_res, W_out, b_out):
    t = lambda i: (i >= NB0).astype(jnp.int32)
    return pl.pallas_call(
        _enc_body,
        grid=(NBT,),
        in_specs=[
            pl.BlockSpec((F, BLK), lambda i: (0, jnp.minimum(i, NB0 - 1))),
            pl.BlockSpec((F, BLK),
                         lambda i: (0, jnp.clip(i - NB0, 0, NBD - NB0 - 1))),
            pl.BlockSpec((1, F, CH), lambda i: (t(i), 0, 0)),
            pl.BlockSpec((1, 1, CH), lambda i: (t(i), 0, 0)),
            pl.BlockSpec((1, NUM_RES, CH, CH), lambda i: (t(i), 0, 0, 0)),
            pl.BlockSpec((1, NUM_RES, CH), lambda i: (t(i), 0, 0)),
            pl.BlockSpec((1, CH, CH), lambda i: (t(i), 0, 0)),
            pl.BlockSpec((1, 1, CH), lambda i: (t(i), 0, 0)),
        ],
        out_specs=pl.BlockSpec((BLK, CH), lambda i: (i, 0)),
        out_shape=jax.ShapeDtypeStruct((N + PAD, CH), jnp.float32),
    )(x0, x1, W_in, b_in.reshape(2, 1, CH), W_res, b_res, W_out,
      b_out.reshape(2, 1, CH))


def _winners_body(fb_hbm, fn_hbm, i0_hbm, i1_hbm, w1_hbm, w2_hbm,
                  ia_v, ib_v, win_v):
    c = lax.axis_index("c")
    s = lax.axis_index("s")
    lo = s * SLOTS
    lane = lax.iota(jnp.int32, 16)

    def init(j, _):
        win_v[pl.ds(j * 16, 16)] = jnp.full((16,), -1, jnp.int32)
        return 0
    lax.fori_loop(0, SLOTS // 16, init, 0, unroll=4)

    def batch(kb, loader):
        locs, vals, masks = [], [], []
        for u in range(UB):
            k = kb * UB + u
            iv = loader(k)
            m0 = (iv >= lo) & (iv < lo + SLOTS)
            locs.append(iv - lo)
            vals.append(k * 16 + lane)
            masks.append(m0)
        for u in range(UB):
            plsc.store_scatter(win_v, [locs[u]], vals[u], mask=masks[u])
        anyr = jnp.zeros((16,), jnp.int32)
        retries = []
        for u in range(UB):
            rb = plsc.load_gather(win_v, [locs[u]], mask=masks[u])
            r = masks[u] & (rb < vals[u])
            retries.append(r)
            anyr = anyr | r.astype(jnp.int32)

        @pl.when(jnp.max(anyr) > 0)
        def _fix():
            def _cond(rs):
                t = rs[0].astype(jnp.int32)
                for u in range(1, UB):
                    t = t | rs[u].astype(jnp.int32)
                return jnp.max(t) > 0

            def _body(rs):
                for u in range(UB):
                    plsc.store_scatter(win_v, [locs[u]], vals[u], mask=rs[u])
                out = []
                for u in range(UB):
                    rb2 = plsc.load_gather(win_v, [locs[u]], mask=rs[u])
                    out.append(rs[u] & (rb2 < vals[u]))
                return tuple(out)

            lax.while_loop(_cond, _body, tuple(retries))

    @pl.when(c == 0)
    def _():
        pltpu.sync_copy(fb_hbm, ia_v)
        pltpu.sync_copy(fn_hbm, ib_v)

        def loop0(kb, _):
            def load0(k):
                o = pl.ds(k * 16, 16)
                return ib_v[o] * B + ia_v[o]
            batch(kb, load0)
            return 0
        lax.fori_loop(0, NV // UB, loop0, 0)
        pltpu.sync_copy(win_v, w1_hbm.at[pl.ds(lo, SLOTS)])

    @pl.when(c == 1)
    def _():
        pltpu.sync_copy(i0_hbm, ia_v.at[pl.ds(0, N0)])
        pltpu.sync_copy(i1_hbm, ia_v.at[pl.ds(N0, N1)])

        def loop1(kb, _):
            batch(kb, lambda k: ia_v[pl.ds(k * 16, 16)])
            return 0
        lax.fori_loop(0, NV // UB, loop1, 0)
        pltpu.sync_copy(win_v, w2_hbm.at[pl.ds(lo, SLOTS)])


def _winners(fb, fn, i0, i1):
    mesh = plsc.VectorSubcoreMesh(core_axis_name="c", subcore_axis_name="s")
    fn_k = pl.kernel(
        _winners_body,
        mesh=mesh,
        compiler_params=pltpu.CompilerParams(needs_layout_passes=False),
        out_type=(jax.ShapeDtypeStruct((N,), jnp.int32),
                  jax.ShapeDtypeStruct((N,), jnp.int32)),
        scratch_types=[
            pltpu.VMEM((N,), jnp.int32),
            pltpu.VMEM((N,), jnp.int32),
            pltpu.VMEM((SLOTS,), jnp.int32),
        ],
    )
    return fn_k(fb, fn, i0, i1)


def _compose_body(enc_hbm, w1_hbm, w2_hbm, out_hbm, w2_v, w1_v, src_v,
                  rbuf0_v, rbuf1_v, rbuf2_v, rbuf3_v, sem0, sem1, sem2, sem3):
    c = lax.axis_index("c")
    s = lax.axis_index("s")
    wid = s * 2 + c
    base = wid * PCHUNK
    lane = lax.iota(jnp.int32, 16)

    pltpu.sync_copy(w2_hbm, w2_v)
    pltpu.sync_copy(w1_hbm.at[pl.ds(base, PCHUNK)], w1_v)

    def comp(j, _):
        w = w1_v[pl.ds(j * 16, 16)]
        pv = base + j * 16 + lane
        cl = jnp.where(w < 0, pv, w)
        sv = plsc.load_gather(w2_v, [cl])
        src = jnp.where((w >= 0) & (sv >= 0), sv, N + (pv & (PAD - 1)))
        src_v[pl.ds(j * 16, 16)] = src
        return 0
    lax.fori_loop(0, PCHUNK // 16, comp, 0)

    bufs = (rbuf0_v, rbuf1_v, rbuf2_v, rbuf3_v)
    sems = (sem0, sem1, sem2, sem3)
    DEPTH = 4

    def _start(g, par):
        pltpu.async_copy(enc_hbm.at[src_v.at[pl.ds(g * GC, GC)]], bufs[par],
                         sems[par])

    def _drain(g, par):
        pltpu.make_async_copy(enc_hbm.at[src_v.at[pl.ds(g * GC, GC)]],
                              bufs[par], sems[par]).wait()
        pltpu.sync_copy(bufs[par], out_hbm.at[pl.ds(base + g * GC, GC)])

    for q in range(DEPTH - 1):
        _start(q, q)

    def ggroup(gq, _):
        g = gq * DEPTH
        for q in range(DEPTH):
            @pl.when(g + q + DEPTH - 1 < NGC)
            def _():
                _start(g + q + DEPTH - 1, (q + DEPTH - 1) % DEPTH)
            _drain(g + q, q)
        return 0
    lax.fori_loop(0, NGC // DEPTH, ggroup, 0)


def _compose(enc_pad, w1, w2):
    mesh = plsc.VectorSubcoreMesh(core_axis_name="c", subcore_axis_name="s")
    fn_k = pl.kernel(
        _compose_body,
        mesh=mesh,
        compiler_params=pltpu.CompilerParams(needs_layout_passes=False),
        out_type=jax.ShapeDtypeStruct((N, CH), jnp.float32),
        scratch_types=[
            pltpu.VMEM((N,), jnp.int32),
            pltpu.VMEM((PCHUNK,), jnp.int32),
            pltpu.VMEM((PCHUNK,), jnp.int32),
            pltpu.VMEM((GC, CH), jnp.float32),
            pltpu.VMEM((GC, CH), jnp.float32),
            pltpu.VMEM((GC, CH), jnp.float32),
            pltpu.VMEM((GC, CH), jnp.float32),
            pltpu.SemaphoreType.DMA,
            pltpu.SemaphoreType.DMA,
            pltpu.SemaphoreType.DMA,
            pltpu.SemaphoreType.DMA,
        ],
    )
    return fn_k(enc_pad, w1, w2)


def kernel(feats_t0, feats_t1, idx_t0, idx_t1, flat_batch_idx, flat_nbr_idx,
           neighbor_types, W_in, b_in, W_res, b_res, W_out, b_out):
    enc_pad = _encode_all(feats_t0.T, feats_t1.T, W_in, b_in, W_res, b_res,
                          W_out, b_out)
    w1, w2 = _winners(flat_batch_idx.astype(jnp.int32),
                      flat_nbr_idx.astype(jnp.int32),
                      idx_t0.astype(jnp.int32), idx_t1.astype(jnp.int32))
    out = _compose(enc_pad, w1, w2)
    return out.reshape(K, B, CH).transpose(1, 0, 2)

# --- scband reference (transcript-rebuilt; emitter-appended) ---
"""Pipeline reference for scband-neighbor-tfs-encoder-8624294331024 (READ-ONLY COPY).

The authoritative reference and input builder live on the scoring server;
editing this copy changes nothing except your own understanding.
"""

import jax, jax.numpy as jnp
import numpy as np

CH = 128
F = 32
B = 1024
K = 50
N = B * K
N0 = N // 2
N1 = N - N0
NUM_RES = 4


def setup_inputs(seed: int = 0) -> dict:
    key = jax.random.key(seed)
    ks = jax.random.split(key, 16)
    feats_t0 = jax.random.normal(ks[0], (N0, F), dtype=jnp.float32)
    feats_t1 = jax.random.normal(ks[1], (N1, F), dtype=jnp.float32)
    idx_t0 = jax.random.randint(ks[2], (N0,), 0, N)
    idx_t1 = jax.random.randint(ks[3], (N1,), 0, N)
    flat_batch_idx = jax.random.randint(ks[4], (N,), 0, B)
    flat_nbr_idx = jax.random.randint(ks[5], (N,), 0, K)
    neighbor_types = jax.random.randint(ks[6], (B, K), 0, 2)
    s_in = 1.0 / np.sqrt(F)
    s_h = 1.0 / np.sqrt(CH)
    W_in = jax.random.uniform(ks[7], (2, F, CH), minval=-s_in, maxval=s_in, dtype=jnp.float32)
    b_in = jnp.zeros((2, CH), dtype=jnp.float32)
    W_res = jax.random.uniform(ks[8], (2, NUM_RES, CH, CH), minval=-s_h, maxval=s_h, dtype=jnp.float32)
    b_res = jnp.zeros((2, NUM_RES, CH), dtype=jnp.float32)
    W_out = jax.random.uniform(ks[9], (2, CH, CH), minval=-s_h, maxval=s_h, dtype=jnp.float32)
    b_out = jnp.zeros((2, CH), dtype=jnp.float32)
    return {"feats_t0": feats_t0, "feats_t1": feats_t1, "idx_t0": idx_t0,
            "idx_t1": idx_t1, "flat_batch_idx": flat_batch_idx,
            "flat_nbr_idx": flat_nbr_idx, "neighbor_types": neighbor_types,
            "W_in": W_in, "b_in": b_in, "W_res": W_res, "b_res": b_res,
            "W_out": W_out, "b_out": b_out}


def _encode(x, W_in, b_in, W_res, b_res, W_out, b_out):
    # nan_to_num mirrors the torch module's sanitization of feat_dict tensors
    x = jnp.nan_to_num(x, nan=0.0, posinf=1000000.0, neginf=-1000000.0)
    # per-type torch_frame encoder (ResNet: input proj + 4 residual layers + out proj)
    h = jax.nn.relu(x @ W_in + b_in)
    for i in range(NUM_RES):
        h = h + jax.nn.relu(h @ W_res[i] + b_res[i])
    return h @ W_out + b_out


def reference(feats_t0, feats_t1, idx_t0, idx_t1, flat_batch_idx, flat_nbr_idx,
              neighbor_types, W_in, b_in, W_res, b_res, W_out, b_out):
    Bq, Kq = neighbor_types.shape
    # 1) single-pass encode per node type
    enc0 = _encode(feats_t0, W_in[0], b_in[0], W_res[0], b_res[0], W_out[0], b_out[0])
    enc1 = _encode(feats_t1, W_in[1], b_in[1], W_res[1], b_res[1], W_out[1], b_out[1])
    # 2) scatter-overwrite into flat neighbor buffer: encoded_flat[idx] = out_t
    encoded_flat = jnp.zeros((flat_batch_idx.shape[0], CH), dtype=jnp.float32)
    encoded_flat = encoded_flat.at[idx_t0].set(enc0)
    encoded_flat = encoded_flat.at[idx_t1].set(enc1)
    # 3) reassemble [B, K, channels]: output[i, j] = encoded_flat
    output = jnp.zeros((Bq, Kq, CH), dtype=jnp.float32)
    output = output.at[flat_batch_idx, flat_nbr_idx].set(encoded_flat)
    return output

if __name__ == "__main__":
    import jax
    _d = setup_inputs()
    print(jax.jit(kernel)(*tuple(_d.values())))

</pallas_src>

<mosaic_0001>
#map = affine_map<(d0, d1) -> (0, 0)>
#map1 = affine_map<(d0, d1) -> (0)>
module attributes {stable_mosaic.version = 14 : i64} {
  func.func @_compose_body(%arg0: i32, %arg1: i32, %arg2: memref<52224x128xf32, #tpu.memory_space<hbm>>, %arg3: memref<51200xi32, #tpu.memory_space<hbm>>, %arg4: memref<51200xi32, #tpu.memory_space<hbm>>, %arg5: memref<51200x128xf32, #tpu.memory_space<hbm>>, %arg6: memref<51200xi32, #tpu.memory_space<vmem>>, %arg7: memref<1600xi32, #tpu.memory_space<vmem>>, %arg8: memref<1600xi32, #tpu.memory_space<vmem>>, %arg9: memref<80x128xf32, #tpu.memory_space<vmem>>, %arg10: memref<80x128xf32, #tpu.memory_space<vmem>>, %arg11: memref<80x128xf32, #tpu.memory_space<vmem>>, %arg12: memref<80x128xf32, #tpu.memory_space<vmem>>, %arg13: memref<!tpu.dma_semaphore, #tpu.memory_space<semaphore_mem>>, %arg14: memref<!tpu.dma_semaphore, #tpu.memory_space<semaphore_mem>>, %arg15: memref<!tpu.dma_semaphore, #tpu.memory_space<semaphore_mem>>, %arg16: memref<!tpu.dma_semaphore, #tpu.memory_space<semaphore_mem>>) attributes {dimension_semantics = [#tpu.dimension_semantics<core_parallel>, #tpu.dimension_semantics<subcore_parallel>], iteration_bounds = array<i64: 2, 16>, scalar_prefetch = 0 : i64, scratch_operands = 11 : i64, tpu.core_type = #tpu.core_type<sc_vector_subcore>, window_params = [{transform_indices = #map}, {transform_indices = #map1}, {transform_indices = #map1}, {transform_indices = #map}]} {
    %mul3A = arith.constant 2 : i32
    %mul3A_0 = arith.muli %arg1, %mul3A : i32
    %add3A = arith.addi %mul3A_0, %arg0 : i32
    %mul3A_1 = arith.constant 1600 : i32
    %mul3A_2 = arith.muli %add3A, %mul3A_1 : i32
    %iota3A = tpu.iota {dimensions = array<i32: 0>} : vector<16xi32>
    "tpu.region"() ({
      %run_scoped3A = tpu.sem_alloc : memref<!tpu.dma_semaphore, #tpu.memory_space<semaphore_mem>>
      tpu.enqueue_dma source(%arg4 : memref<51200xi32, #tpu.memory_space<hbm>>) target(%arg6 : memref<51200xi32, #tpu.memory_space<vmem>>) target_semaphore(%run_scoped3A : memref<!tpu.dma_semaphore, #tpu.memory_space<semaphore_mem>>)
      tpu.wait_dma2 semaphore(%run_scoped3A : memref<!tpu.dma_semaphore, #tpu.memory_space<semaphore_mem>>) src(%arg4 : memref<51200xi32, #tpu.memory_space<hbm>>) dst(%arg6 : memref<51200xi32, #tpu.memory_space<vmem>>)
      tpu.yield
    }) : () -> ()
    "tpu.region"() ({
      %run_scoped3A = tpu.sem_alloc : memref<!tpu.dma_semaphore, #tpu.memory_space<semaphore_mem>>
      %dma_start3A_30 = tpu.memref_slice %arg3[%mul3A_2] : memref<51200xi32, #tpu.memory_space<hbm>> -> memref<1600xi32, #tpu.memory_space<hbm>>
      %dma_start3A_31 = tpu.memref_slice %arg3[%mul3A_2] : memref<51200xi32, #tpu.memory_space<hbm>> -> memref<1600xi32, #tpu.memory_space<hbm>>
      tpu.enqueue_dma source(%dma_start3A_31 : memref<1600xi32, #tpu.memory_space<hbm>>) target(%arg7 : memref<1600xi32, #tpu.memory_space<vmem>>) target_semaphore(%run_scoped3A : memref<!tpu.dma_semaphore, #tpu.memory_space<semaphore_mem>>)
      %dma_wait3A = tpu.memref_slice %arg3[%mul3A_2] : memref<51200xi32, #tpu.memory_space<hbm>> -> memref<1600xi32, #tpu.memory_space<hbm>>
      %dma_wait3A_32 = tpu.memref_slice %arg3[%mul3A_2] : memref<51200xi32, #tpu.memory_space<hbm>> -> memref<1600xi32, #tpu.memory_space<hbm>>
      tpu.wait_dma2 semaphore(%run_scoped3A : memref<!tpu.dma_semaphore, #tpu.memory_space<semaphore_mem>>) src(%dma_wait3A_32 : memref<1600xi32, #tpu.memory_space<hbm>>) dst(%arg7 : memref<1600xi32, #tpu.memory_space<vmem>>)
      tpu.yield
    }) : () -> ()
    %scan3A = arith.constant 0 : i32
    %scan3A_3 = arith.constant 0 : i32
    %scan3A_4 = arith.constant 100 : i32
    %scan3A_5 = arith.addi %scan3A_3, %scan3A_4 : i32
    %scan3A_6 = arith.constant 1 : i32
    %scan3A_7 = scf.for %scan3A_30 = %scan3A_3 to %scan3A_5 step %scan3A_6 iter_args(%scan3A_31 = %scan3A) -> (i32)  : i32 {
      %mul3A_32 = arith.constant 16 : i32
      %mul3A_33 = arith.muli %scan3A_30, %mul3A_32 : i32
      %get3A = arith.index_cast %mul3A_33 : i32 to index
      %get3A_34 = tpu.vector_load %arg7[%get3A] {strides = array<i32>} : memref<1600xi32, #tpu.memory_space<vmem>>, vector<16xi32>,
      %mul3A_35 = arith.constant 16 : i32
      %mul3A_36 = arith.muli %scan3A_30, %mul3A_35 : i32
      %add3A_37 = arith.addi %mul3A_2, %mul3A_36 : i32
      %add3A_38 = vector.broadcast %add3A_37 : i32 to vector<16xi32>
      %add3A_39 = arith.addi %add3A_38, %iota3A : vector<16xi32>
      %lt3A = arith.constant 0 : i32
      %lt3A_40 = vector.broadcast %lt3A : i32 to vector<16xi32>
      %lt3A_41 = arith.cmpi slt, %get3A_34, %lt3A_40 : vector<16xi32>
      %select_n3A = arith.select %lt3A_41, %add3A_39, %get3A_34 : vector<16xi1>, vector<16xi32>
      %gather3A = tpu.vector_load_idx %arg6[%select_n3A] : memref<51200xi32, #tpu.memory_space<vmem>>[vector<16xi32>], vector<16xi32>,
      %ge3A = arith.constant 0 : i32
      %ge3A_42 = vector.broadcast %ge3A : i32 to vector<16xi32>
      %ge3A_43 = arith.cmpi sge, %get3A_34, %ge3A_42 : vector<16xi32>
      %ge3A_44 = arith.constant 0 : i32
      %ge3A_45 = vector.broadcast %ge3A_44 : i32 to vector<16xi32>
      %ge3A_46 = arith.cmpi sge, %gather3A, %ge3A_45 : vector<16xi32>
      %and3A = arith.andi %ge3A_43, %ge3A_46 : vector<16xi1>
      %and3A_47 = arith.constant 1023 : i32
      %and3A_48 = vector.broadcast %and3A_47 : i32 to vector<16xi32>
      %and3A_49 = arith.andi %add3A_39, %and3A_48 : vector<16xi32>
      %add3A_50 = arith.constant 51200 : i32
      %add3A_51 = vector.broadcast %add3A_50 : i32 to vector<16xi32>
      %add3A_52 = arith.addi %add3A_51, %and3A_49 : vector<16xi32>
      %select_n3A_53 = arith.select %and3A, %gather3A, %add3A_52 : vector<16xi1>, vector<16xi32>
      %mul3A_54 = arith.constant 16 : i32
      %mul3A_55 = arith.muli %scan3A_30, %mul3A_54 : i32
      %swap3A = arith.index_cast %mul3A_55 : i32 to index
      %swap3A_56 = tpu.vector_load %arg8[%swap3A] {strides = array<i32>} : memref<1600xi32, #tpu.memory_space<vmem>>, vector<16xi32>,
      tpu.vector_store %arg8[%swap3A], %select_n3A_53 {strides = array<i32>} : memref<1600xi32, #tpu.memory_space<vmem>>, vector<16xi32>,
      %scan3A_57 = arith.constant 0 : i32
      scf.yield %scan3A_57 : i32
    }
    %scan3A_8 = arith.constant 100 : i32
    %dma_start3A = arith.constant 0 : i32
    %dma_start3A_9 = tpu.memref_slice %arg8[%dma_start3A] : memref<1600xi32, #tpu.memory_space<vmem>> -> memref<80xi32, #tpu.memory_space<vmem>>
    %dma_start3A_10 = arith.constant 0 : i32
    %dma_start3A_11 = arith.constant 0 : i32
    %dma_start3A_12 = tpu.memref_slice %arg2[%dma_start3A_10, %dma_start3A_11] : memref<52224x128xf32, #tpu.memory_space<hbm>> -> memref<52224x128xf32, #tpu.memory_space<hbm>>
    tpu.enqueue_indirect_dma source(%dma_start3A_12 : memref<52224x128xf32, #tpu.memory_space<hbm>>) target(%arg9 : memref<80x128xf32, #tpu.memory_space<vmem>>) offsets(%dma_start3A_9 : memref<80xi32, #tpu.memory_space<vmem>>) semaphore(%arg13 : memref<!tpu.dma_semaphore, #tpu.memory_space<semaphore_mem>>)
    %dma_start3A_13 = arith.constant 80 : i32
    %dma_start3A_14 = tpu.memref_slice %arg8[%dma_start3A_13] : memref<1600xi32, #tpu.memory_space<vmem>> -> memref<80xi32, #tpu.memory_space<vmem>>
    %dma_start3A_15 = arith.constant 0 : i32
    %dma_start3A_16 = arith.constant 0 : i32
    %dma_start3A_17 = tpu.memref_slice %arg2[%dma_start3A_15, %dma_start3A_16] : memref<52224x128xf32, #tpu.memory_space<hbm>> -> memref<52224x128xf32, #tpu.memory_space<hbm>>
    tpu.enqueue_indirect_dma source(%dma_start3A_17 : memref<52224x128xf32, #tpu.memory_space<hbm>>) target(%arg10 : memref<80x128xf32, #tpu.memory_space<vmem>>) offsets(%dma_start3A_14 : memref<80xi32, #tpu.memory_space<vmem>>) semaphore(%arg14 : memref<!tpu.dma_semaphore, #tpu.memory_space<semaphore_mem>>)
    %dma_start3A_18 = arith.constant 160 : i32
    %dma_start3A_19 = tpu.memref_slice %arg8[%dma_start3A_18] : memref<1600xi32, #tpu.memory_space<vmem>> -> memref<80xi32, #tpu.memory_space<vmem>>
    %dma_start3A_20 = arith.constant 0 : i32
    %dma_start3A_21 = arith.constant 0 : i32
    %dma_start3A_22 = tpu.memref_slice %arg2[%dma_start3A_20, %dma_start3A_21] : memref<52224x128xf32, #tpu.memory_space<hbm>> -> memref<52224x128xf32, #tpu.memory_space<hbm>>
    tpu.enqueue_indirect_dma source(%dma_start3A_22 : memref<52224x128xf32, #tpu.memory_space<hbm>>) target(%arg11 : memref<80x128xf32, #tpu.memory_space<vmem>>) offsets(%dma_start3A_19 : memref<80xi32, #tpu.memory_space<vmem>>) semaphore(%arg15 : memref<!tpu.dma_semaphore, #tpu.memory_space<semaphore_mem>>)
    %scan3A_23 = arith.constant 0 : i32
    %scan3A_24 = arith.constant 0 : i32
    %scan3A_25 = arith.constant 5 : i32
    %scan3A_26 = arith.addi %scan3A_24, %scan3A_25 : i32
    %scan3A_27 = arith.constant 1 : i32
    %scan3A_28 = scf.for %scan3A_30 = %scan3A_24 to %scan3A_26 step %scan3A_27 iter_args(%scan3A_31 = %scan3A_23) -> (i32)  : i32 {
      %mul3A_32 = arith.constant 4 : i32
      %mul3A_33 = arith.muli %scan3A_30, %mul3A_32 : i32
      %add3A_34 = arith.constant 0 : i32
      %add3A_35 = arith.addi %mul3A_33, %add3A_34 : i32
      %add3A_36 = arith.constant 4 : i32
      %add3A_37 = arith.addi %add3A_35, %add3A_36 : i32
      %sub3A = arith.constant 1 : i32
      %sub3A_38 = arith.subi %add3A_37, %sub3A : i32
      %lt3A = arith.constant 20 : i32
      %lt3A_39 = arith.cmpi slt, %sub3A_38, %lt3A : i32
      %convert_element_type3A = arith.extui %lt3A_39 : i1 to i32
      %cond3A = arith.constant 0 : i32
      %cond3A_40 = arith.cmpi ne, %convert_element_type3A, %cond3A : i32
      scf.if %cond3A_40 {
        %add3A_118 = arith.constant 0 : i32
        %add3A_119 = arith.addi %mul3A_33, %add3A_118 : i32
        %add3A_120 = arith.constant 4 : i32
        %add3A_121 = arith.addi %add3A_119, %add3A_120 : i32
        %sub3A_122 = arith.constant 1 : i32
        %sub3A_123 = arith.subi %add3A_121, %sub3A_122 : i32
        %mul3A_124 = arith.constant 80 : i32
        %mul3A_125 = arith.muli %sub3A_123, %mul3A_124 : i32
        %dma_start3A_126 = tpu.memref_slice %arg8[%mul3A_125] : memref<1600xi32, #tpu.memory_space<vmem>> -> memref<80xi32, #tpu.memory_space<vmem>>
        %dma_start3A_127 = arith.constant 0 : i32
        %dma_start3A_128 = arith.constant 0 : i32
        %dma_start3A_129 = tpu.memref_slice %arg2[%dma_start3A_127, %dma_start3A_128] : memref<52224x128xf32, #tpu.memory_space<hbm>> -> memref<52224x128xf32, #tpu.memory_space<hbm>>
        tpu.enqueue_indirect_dma source(%dma_start3A_129 : memref<52224x128xf32, #tpu.memory_space<hbm>>) target(%arg12 : memref<80x128xf32, #tpu.memory_space<vmem>>) offsets(%dma_start3A_126 : memref<80xi32, #tpu.memory_space<vmem>>) semaphore(%arg16 : memref<!tpu.dma_semaphore, #tpu.memory_space<semaphore_mem>>)
      } else {
      }
      %add3A_41 = arith.constant 0 : i32
      %add3A_42 = arith.addi %mul3A_33, %add3A_41 : i32
      %mul3A_43 = arith.constant 80 : i32
      %mul3A_44 = arith.muli %add3A_42, %mul3A_43 : i32
      %dma_wait3A = tpu.memref_slice %arg8[%mul3A_44] : memref<1600xi32, #tpu.memory_space<vmem>> -> memref<80xi32, #tpu.memory_space<vmem>>
      %dma_wait3A_45 = arith.constant 0 : i32
      %dma_wait3A_46 = arith.constant 0 : i32
      %dma_wait3A_47 = tpu.memref_slice %arg2[%dma_wait3A_45, %dma_wait3A_46] : memref<52224x128xf32, #tpu.memory_space<hbm>> -> memref<52224x128xf32, #tpu.memory_space<hbm>>
      tpu.wait_indirect_dma semaphore(%arg13 : memref<!tpu.dma_semaphore, #tpu.memory_space<semaphore_mem>>) src(%dma_wait3A_47 : memref<52224x128xf32, #tpu.memory_space<hbm>>) dst(%arg9 : memref<80x128xf32, #tpu.memory_space<vmem>>)
      %mul3A_48 = arith.constant 80 : i32
      %mul3A_49 = arith.muli %add3A_42, %mul3A_48 : i32
      %add3A_50 = arith.addi %mul3A_2, %mul3A_49 : i32
      "tpu.region"() ({
        %run_scoped3A = tpu.sem_alloc : memref<!tpu.dma_semaphore, #tpu.memory_space<semaphore_mem>>
        %dma_start3A_118 = arith.constant 0 : i32
        %dma_start3A_119 = tpu.memref_slice %arg5[%add3A_50, %dma_start3A_118] : memref<51200x128xf32, #tpu.memory_space<hbm>> -> memref<80x128xf32, #tpu.memory_space<hbm>>
        %dma_start3A_120 = arith.constant 0 : i32
        %dma_start3A_121 = tpu.memref_slice %arg5[%add3A_50, %dma_start3A_120] : memref<51200x128xf32, #tpu.memory_space<hbm>> -> memref<80x128xf32, #tpu.memory_space<hbm>>
        tpu.enqueue_dma source(%arg9 : memref<80x128xf32, #tpu.memory_space<vmem>>) target(%dma_start3A_121 : memref<80x128xf32, #tpu.memory_space<hbm>>) target_semaphore(%run_scoped3A : memref<!tpu.dma_semaphore, #tpu.memory_space<semaphore_mem>>)
        %dma_wait3A_122 = arith.constant 0 : i32
        %dma_wait3A_123 = tpu.memref_slice %arg5[%add3A_50, %dma_wait3A_122] : memref<51200x128xf32, #tpu.memory_space<hbm>> -> memref<80x128xf32, #tpu.memory_space<hbm>>
        %dma_wait3A_124 = arith.constant 0 : i32
        %dma_wait3A_125 = tpu.memref_slice %arg5[%add3A_50, %dma_wait3A_124] : memref<51200x128xf32, #tpu.memory_space<hbm>> -> memref<80x128xf32, #tpu.memory_space<hbm>>
        tpu.wait_dma2 semaphore(%run_scoped3A : memref<!tpu.dma_semaphore, #tpu.memory_space<semaphore_mem>>) src(%arg9 : memref<80x128xf32, #tpu.memory_space<vmem>>) dst(%dma_wait3A_125 : memref<80x128xf32, #tpu.memory_space<hbm>>)
        tpu.yield
      }) : () -> ()
      %add3A_51 = arith.constant 1 : i32
      %add3A_52 = arith.addi %mul3A_33, %add3A_51 : i32
      %add3A_53 = arith.constant 4 : i32
      %add3A_54 = arith.addi %add3A_52, %add3A_53 : i32
      %sub3A_55 = arith.constant 1 : i32
      %sub3A_56 = arith.subi %add3A_54, %sub3A_55 : i32
      %lt3A_57 = arith.constant 20 : i32
      %lt3A_58 = arith.cmpi slt, %sub3A_56, %lt3A_57 : i32
      %convert_element_type3A_59 = arith.extui %lt3A_58 : i1 to i32
      %cond3A_60 = arith.constant 0 : i32
      %cond3A_61 = arith.cmpi ne, %convert_element_type3A_59, %cond3A_60 : i32
      scf.if %cond3A_61 {
        %add3A_118 = arith.constant 1 : i32
        %add3A_119 = arith.addi %mul3A_33, %add3A_118 : i32
        %add3A_120 = arith.constant 4 : i32
        %add3A_121 = arith.addi %add3A_119, %add3A_120 : i32
        %sub3A_122 = arith.constant 1 : i32
        %sub3A_123 = arith.subi %add3A_121, %sub3A_122 : i32
        %mul3A_124 = arith.constant 80 : i32
        %mul3A_125 = arith.muli %sub3A_123, %mul3A_124 : i32
        %dma_start3A_126 = tpu.memref_slice %arg8[%mul3A_125] : memref<1600xi32, #tpu.memory_space<vmem>> -> memref<80xi32, #tpu.memory_space<vmem>>
        %dma_start3A_127 = arith.constant 0 : i32
        %dma_start3A_128 = arith.constant 0 : i32
        %dma_start3A_129 = tpu.memref_slice %arg2[%dma_start3A_127, %dma_start3A_128] : memref<52224x128xf32, #tpu.memory_space<hbm>> -> memref<52224x128xf32, #tpu.memory_space<hbm>>
        tpu.enqueue_indirect_dma source(%dma_start3A_129 : memref<52224x128xf32, #tpu.memory_space<hbm>>) target(%arg9 : memref<80x128xf32, #tpu.memory_space<vmem>>) offsets(%dma_start3A_126 : memref<80xi32, #tpu.memory_space<vmem>>) semaphore(%arg13 : memref<!tpu.dma_semaphore, #tpu.memory_space<semaphore_mem>>)
      } else {
      }
      %add3A_62 = arith.constant 1 : i32
      %add3A_63 = arith.addi %mul3A_33, %add3A_62 : i32
      %mul3A_64 = arith.constant 80 : i32
      %mul3A_65 = arith.muli %add3A_63, %mul3A_64 : i32
      %dma_wait3A_66 = tpu.memref_slice %arg8[%mul3A_65] : memref<1600xi32, #tpu.memory_space<vmem>> -> memref<80xi32, #tpu.memory_space<vmem>>
      %dma_wait3A_67 = arith.constant 0 : i32
      %dma_wait3A_68 = arith.constant 0 : i32
      %dma_wait3A_69 = tpu.memref_slice %arg2[%dma_wait3A_67, %dma_wait3A_68] : memref<52224x128xf32, #tpu.memory_space<hbm>> -> memref<52224x128xf32, #tpu.memory_space<hbm>>
      tpu.wait_indirect_dma semaphore(%arg14 : memref<!tpu.dma_semaphore, #tpu.memory_space<semaphore_mem>>) src(%dma_wait3A_69 : memref<52224x128xf32, #tpu.memory_space<hbm>>) dst(%arg10 : memref<80x128xf32, #tpu.memory_space<vmem>>)
      %mul3A_70 = arith.constant 80 : i32
      %mul3A_71 = arith.muli %add3A_63, %mul3A_70 : i32
      %add3A_72 = arith.addi %mul3A_2, %mul3A_71 : i32
      "tpu.region"() ({
        %run_scoped3A = tpu.sem_alloc : memref<!tpu.dma_semaphore, #tpu.memory_space<semaphore_mem>>
        %dma_start3A_118 = arith.constant 0 : i32
        %dma_start3A_119 = tpu.memref_slice %arg5[%add3A_72, %dma_start3A_118] : memref<51200x128xf32, #tpu.memory_space<hbm>> -> memref<80x128xf32, #tpu.memory_space<hbm>>
        %dma_start3A_120 = arith.constant 0 : i32
        %dma_start3A_121 = tpu.memref_slice %arg5[%add3A_72, %dma_start3A_120] : memref<51200x128xf32, #tpu.memory_space<hbm>> -> memref<80x128xf32, #tpu.memory_space<hbm>>
        tpu.enqueue_dma source(%arg10 : memref<80x128xf32, #tpu.memory_space<vmem>>) target(%dma_start3A_121 : memref<80x128xf32, #tpu.memory_space<hbm>>) target_semaphore(%run_scoped3A : memref<!tpu.dma_semaphore, #tpu.memory_space<semaphore_mem>>)
        %dma_wait3A_122 = arith.constant 0 : i32
        %dma_wait3A_123 = tpu.memref_slice %arg5[%add3A_72, %dma_wait3A_122] : memref<51200x128xf32, #tpu.memory_space<hbm>> -> memref<80x128xf32, #tpu.memory_space<hbm>>
        %dma_wait3A_124 = arith.constant 0 : i32
        %dma_wait3A_125 = tpu.memref_slice %arg5[%add3A_72, %dma_wait3A_124] : memref<51200x128xf32, #tpu.memory_space<hbm>> -> memref<80x128xf32, #tpu.memory_space<hbm>>
        tpu.wait_dma2 semaphore(%run_scoped3A : memref<!tpu.dma_semaphore, #tpu.memory_space<semaphore_mem>>) src(%arg10 : memref<80x128xf32, #tpu.memory_space<vmem>>) dst(%dma_wait3A_125 : memref<80x128xf32, #tpu.memory_space<hbm>>)
        tpu.yield
      }) : () -> ()
      %add3A_73 = arith.constant 2 : i32
      %add3A_74 = arith.addi %mul3A_33, %add3A_73 : i32
      %add3A_75 = arith.constant 4 : i32
      %add3A_76 = arith.addi %add3A_74, %add3A_75 : i32
      %sub3A_77 = arith.constant 1 : i32
      %sub3A_78 = arith.subi %add3A_76, %sub3A_77 : i32
      %lt3A_79 = arith.constant 20 : i32
      %lt3A_80 = arith.cmpi slt, %sub3A_78, %lt3A_79 : i32
      %convert_element_type3A_81 = arith.extui %lt3A_80 : i1 to i32
      %cond3A_82 = arith.constant 0 : i32
      %cond3A_83 = arith.cmpi ne, %convert_element_type3A_81, %cond3A_82 : i32
      scf.if %cond3A_83 {
        %add3A_118 = arith.constant 2 : i32
        %add3A_119 = arith.addi %mul3A_33, %add3A_118 : i32
        %add3A_120 = arith.constant 4 : i32
        %add3A_121 = arith.addi %add3A_119, %add3A_120 : i32
        %sub3A_122 = arith.constant 1 : i32
        %sub3A_123 = arith.subi %add3A_121, %sub3A_122 : i32
        %mul3A_124 = arith.constant 80 : i32
        %mul3A_125 = arith.muli %sub3A_123, %mul3A_124 : i32
        %dma_start3A_126 = tpu.memref_slice %arg8[%mul3A_125] : memref<1600xi32, #tpu.memory_space<vmem>> -> memref<80xi32, #tpu.memory_space<vmem>>
        %dma_start3A_127 = arith.constant 0 : i32
        %dma_start3A_128 = arith.constant 0 : i32
        %dma_start3A_129 = tpu.memref_slice %arg2[%dma_start3A_127, %dma_start3A_128] : memref<52224x128xf32, #tpu.memory_space<hbm>> -> memref<52224x128xf32, #tpu.memory_space<hbm>>
        tpu.enqueue_indirect_dma source(%dma_start3A_129 : memref<52224x128xf32, #tpu.memory_space<hbm>>) target(%arg10 : memref<80x128xf32, #tpu.memory_space<vmem>>) offsets(%dma_start3A_126 : memref<80xi32, #tpu.memory_space<vmem>>) semaphore(%arg14 : memref<!tpu.dma_semaphore, #tpu.memory_space<semaphore_mem>>)
      } else {
      }
      %add3A_84 = arith.constant 2 : i32
      %add3A_85 = arith.addi %mul3A_33, %add3A_84 : i32
      %mul3A_86 = arith.constant 80 : i32
      %mul3A_87 = arith.muli %add3A_85, %mul3A_86 : i32
      %dma_wait3A_88 = tpu.memref_slice %arg8[%mul3A_87] : memref<1600xi32, #tpu.memory_space<vmem>> -> memref<80xi32, #tpu.memory_space<vmem>>
      %dma_wait3A_89 = arith.constant 0 : i32
      %dma_wait3A_90 = arith.constant 0 : i32
      %dma_wait3A_91 = tpu.memref_slice %arg2[%dma_wait3A_89, %dma_wait3A_90] : memref<52224x128xf32, #tpu.memory_space<hbm>> -> memref<52224x128xf32, #tpu.memory_space<hbm>>
      tpu.wait_indirect_dma semaphore(%arg15 : memref<!tpu.dma_semaphore, #tpu.memory_space<semaphore_mem>>) src(%dma_wait3A_91 : memref<52224x128xf32, #tpu.memory_space<hbm>>) dst(%arg11 : memref<80x128xf32, #tpu.memory_space<vmem>>)
      %mul3A_92 = arith.constant 80 : i32
      %mul3A_93 = arith.muli %add3A_85, %mul3A_92 : i32
      %add3A_94 = arith.addi %mul3A_2, %mul3A_93 : i32
      "tpu.region"() ({
        %run_scoped3A = tpu.sem_alloc : memref<!tpu.dma_semaphore, #tpu.memory_space<semaphore_mem>>
        %dma_start3A_118 = arith.constant 0 : i32
        %dma_start3A_119 = tpu.memref_slice %arg5[%add3A_94, %dma_start3A_118] : memref<51200x128xf32, #tpu.memory_space<hbm>> -> memref<80x128xf32, #tpu.memory_space<hbm>>
        %dma_start3A_120 = arith.constant 0 : i32
        %dma_start3A_121 = tpu.memref_slice %arg5[%add3A_94, %dma_start3A_120] : memref<51200x128xf32, #tpu.memory_space<hbm>> -> memref<80x128xf32, #tpu.memory_space<hbm>>
        tpu.enqueue_dma source(%arg11 : memref<80x128xf32, #tpu.memory_space<vmem>>) target(%dma_start3A_121 : memref<80x128xf32, #tpu.memory_space<hbm>>) target_semaphore(%run_scoped3A : memref<!tpu.dma_semaphore, #tpu.memory_space<semaphore_mem>>)
        %dma_wait3A_122 = arith.constant 0 : i32
        %dma_wait3A_123 = tpu.memref_slice %arg5[%add3A_94, %dma_wait3A_122] : memref<51200x128xf32, #tpu.memory_space<hbm>> -> memref<80x128xf32, #tpu.memory_space<hbm>>
        %dma_wait3A_124 = arith.constant 0 : i32
        %dma_wait3A_125 = tpu.memref_slice %arg5[%add3A_94, %dma_wait3A_124] : memref<51200x128xf32, #tpu.memory_space<hbm>> -> memref<80x128xf32, #tpu.memory_space<hbm>>
        tpu.wait_dma2 semaphore(%run_scoped3A : memref<!tpu.dma_semaphore, #tpu.memory_space<semaphore_mem>>) src(%arg11 : memref<80x128xf32, #tpu.memory_space<vmem>>) dst(%dma_wait3A_125 : memref<80x128xf32, #tpu.memory_space<hbm>>)
        tpu.yield
      }) : () -> ()
      %add3A_95 = arith.constant 3 : i32
      %add3A_96 = arith.addi %mul3A_33, %add3A_95 : i32
      %add3A_97 = arith.constant 4 : i32
      %add3A_98 = arith.addi %add3A_96, %add3A_97 : i32
      %sub3A_99 = arith.constant 1 : i32
      %sub3A_100 = arith.subi %add3A_98, %sub3A_99 : i32
      %lt3A_101 = arith.constant 20 : i32
      %lt3A_102 = arith.cmpi slt, %sub3A_100, %lt3A_101 : i32
      %convert_element_type3A_103 = arith.extui %lt3A_102 : i1 to i32
      %cond3A_104 = arith.constant 0 : i32
      %cond3A_105 = arith.cmpi ne, %convert_element_type3A_103, %cond3A_104 : i32
      scf.if %cond3A_105 {
        %add3A_118 = arith.constant 3 : i32
        %add3A_119 = arith.addi %mul3A_33, %add3A_118 : i32
        %add3A_120 = arith.constant 4 : i32
        %add3A_121 = arith.addi %add3A_119, %add3A_120 : i32
        %sub3A_122 = arith.constant 1 : i32
        %sub3A_123 = arith.subi %add3A_121, %sub3A_122 : i32
        %mul3A_124 = arith.constant 80 : i32
        %mul3A_125 = arith.muli %sub3A_123, %mul3A_124 : i32
        %dma_start3A_126 = tpu.memref_slice %arg8[%mul3A_125] : memref<1600xi32, #tpu.memory_space<vmem>> -> memref<80xi32, #tpu.memory_space<vmem>>
        %dma_start3A_127 = arith.constant 0 : i32
        %dma_start3A_128 = arith.constant 0 : i32
        %dma_start3A_129 = tpu.memref_slice %arg2[%dma_start3A_127, %dma_start3A_128] : memref<52224x128xf32, #tpu.memory_space<hbm>> -> memref<52224x128xf32, #tpu.memory_space<hbm>>
        tpu.enqueue_indirect_dma source(%dma_start3A_129 : memref<52224x128xf32, #tpu.memory_space<hbm>>) target(%arg11 : memref<80x128xf32, #tpu.memory_space<vmem>>) offsets(%dma_start3A_126 : memref<80xi32, #tpu.memory_space<vmem>>) semaphore(%arg15 : memref<!tpu.dma_semaphore, #tpu.memory_space<semaphore_mem>>)
      } else {
      }
      %add3A_106 = arith.constant 3 : i32
      %add3A_107 = arith.addi %mul3A_33, %add3A_106 : i32
      %mul3A_108 = arith.constant 80 : i32
      %mul3A_109 = arith.muli %add3A_107, %mul3A_108 : i32
      %dma_wait3A_110 = tpu.memref_slice %arg8[%mul3A_109] : memref<1600xi32, #tpu.memory_space<vmem>> -> memref<80xi32, #tpu.memory_space<vmem>>
      %dma_wait3A_111 = arith.constant 0 : i32
      %dma_wait3A_112 = arith.constant 0 : i32
      %dma_wait3A_113 = tpu.memref_slice %arg2[%dma_wait3A_111, %dma_wait3A_112] : memref<52224x128xf32, #tpu.memory_space<hbm>> -> memref<52224x128xf32, #tpu.memory_space<hbm>>
      tpu.wait_indirect_dma semaphore(%arg16 : memref<!tpu.dma_semaphore, #tpu.memory_space<semaphore_mem>>) src(%dma_wait3A_113 : memref<52224x128xf32, #tpu.memory_space<hbm>>) dst(%arg12 : memref<80x128xf32, #tpu.memory_space<vmem>>)
      %mul3A_114 = arith.constant 80 : i32
      %mul3A_115 = arith.muli %add3A_107, %mul3A_114 : i32
      %add3A_116 = arith.addi %mul3A_2, %mul3A_115 : i32
      "tpu.region"() ({
        %run_scoped3A = tpu.sem_alloc : memref<!tpu.dma_semaphore, #tpu.memory_space<semaphore_mem>>
        %dma_start3A_118 = arith.constant 0 : i32
        %dma_start3A_119 = tpu.memref_slice %arg5[%add3A_116, %dma_start3A_118] : memref<51200x128xf32, #tpu.memory_space<hbm>> -> memref<80x128xf32, #tpu.memory_space<hbm>>
        %dma_start3A_120 = arith.constant 0 : i32
        %dma_start3A_121 = tpu.memref_slice %arg5[%add3A_116, %dma_start3A_120] : memref<51200x128xf32, #tpu.memory_space<hbm>> -> memref<80x128xf32, #tpu.memory_space<hbm>>
        tpu.enqueue_dma source(%arg12 : memref<80x128xf32, #tpu.memory_space<vmem>>) target(%dma_start3A_121 : memref<80x128xf32, #tpu.memory_space<hbm>>) target_semaphore(%run_scoped3A : memref<!tpu.dma_semaphore, #tpu.memory_space<semaphore_mem>>)
        %dma_wait3A_122 = arith.constant 0 : i32
        %dma_wait3A_123 = tpu.memref_slice %arg5[%add3A_116, %dma_wait3A_122] : memref<51200x128xf32, #tpu.memory_space<hbm>> -> memref<80x128xf32, #tpu.memory_space<hbm>>
        %dma_wait3A_124 = arith.constant 0 : i32
        %dma_wait3A_125 = tpu.memref_slice %arg5[%add3A_116, %dma_wait3A_124] : memref<51200x128xf32, #tpu.memory_space<hbm>> -> memref<80x128xf32, #tpu.memory_space<hbm>>
        tpu.wait_dma2 semaphore(%run_scoped3A : memref<!tpu.dma_semaphore, #tpu.memory_space<semaphore_mem>>) src(%arg12 : memref<80x128xf32, #tpu.memory_space<vmem>>) dst(%dma_wait3A_125 : memref<80x128xf32, #tpu.memory_space<hbm>>)
        tpu.yield
      }) : () -> ()
      %scan3A_117 = arith.constant 0 : i32
      scf.yield %scan3A_117 : i32
    }
    %scan3A_29 = arith.constant 5 : i32
    return
  }
}

#map = affine_map<(d0, d1) -> (0)>
module attributes {stable_mosaic.version = 14 : i64} {
  func.func @_winners_body(%arg0: i32, %arg1: i32, %arg2: memref<51200xi32, #tpu.memory_space<hbm>>, %arg3: memref<51200xi32, #tpu.memory_space<hbm>>, %arg4: memref<25600xi32, #tpu.memory_space<hbm>>, %arg5: memref<25600xi32, #tpu.memory_space<hbm>>, %arg6: memref<51200xi32, #tpu.memory_space<hbm>>, %arg7: memref<51200xi32, #tpu.memory_space<hbm>>, %arg8: memref<51200xi32, #tpu.memory_space<vmem>>, %arg9: memref<51200xi32, #tpu.memory_space<vmem>>, %arg10: memref<3200xi32, #tpu.memory_space<vmem>>) attributes {dimension_semantics = [#tpu.dimension_semantics<core_parallel>, #tpu.dimension_semantics<subcore_parallel>], iteration_bounds = array<i64: 2, 16>, scalar_prefetch = 0 : i64, scratch_operands = 3 : i64, tpu.core_type = #tpu.core_type<sc_vector_subcore>, window_params = [{transform_indices = #map}, {transform_indices = #map}, {transform_indices = #map}, {transform_indices = #map}, {transform_indices = #map}, {transform_indices = #map}]} {
    %mul3A = arith.constant 3200 : i32
    %mul3A_0 = arith.muli %arg1, %mul3A : i32
    %iota3A = tpu.iota {dimensions = array<i32: 0>} : vector<16xi32>
    %scan3A = arith.constant 0 : i32
    %scan3A_1 = arith.constant 0 : i32
    %scan3A_2 = arith.constant 200 : i32
    %scan3A_3 = arith.addi %scan3A_1, %scan3A_2 : i32
    %scan3A_4 = arith.constant 4 : i32
    %scan3A_5 = scf.for %scan3A_14 = %scan3A_1 to %scan3A_3 step %scan3A_4 iter_args(%scan3A_15 = %scan3A) -> (i32)  : i32 {
      %broadcast_in_dim3A = arith.constant -1 : i32
      %broadcast_in_dim3A_16 = vector.broadcast %broadcast_in_dim3A : i32 to vector<16xi32>
      %mul3A_17 = arith.constant 16 : i32
      %mul3A_18 = arith.muli %scan3A_14, %mul3A_17 : i32
      %swap3A = arith.index_cast %mul3A_18 : i32 to index
      %swap3A_19 = tpu.vector_load %arg10[%swap3A] {strides = array<i32>} : memref<3200xi32, #tpu.memory_space<vmem>>, vector<16xi32>,
      tpu.vector_store %arg10[%swap3A], %broadcast_in_dim3A_16 {strides = array<i32>} : memref<3200xi32, #tpu.memory_space<vmem>>, vector<16xi32>,
      %scan3A_20 = arith.constant 0 : i32
      %scan3A_21 = arith.constant 1 : i32
      %scan3A_22 = arith.addi %scan3A_14, %scan3A_21 : i32
      %broadcast_in_dim3A_23 = arith.constant -1 : i32
      %broadcast_in_dim3A_24 = vector.broadcast %broadcast_in_dim3A_23 : i32 to vector<16xi32>
      %mul3A_25 = arith.constant 16 : i32
      %mul3A_26 = arith.muli %scan3A_22, %mul3A_25 : i32
      %swap3A_27 = arith.index_cast %mul3A_26 : i32 to index
      %swap3A_28 = tpu.vector_load %arg10[%swap3A_27] {strides = array<i32>} : memref<3200xi32, #tpu.memory_space<vmem>>, vector<16xi32>,
      tpu.vector_store %arg10[%swap3A_27], %broadcast_in_dim3A_24 {strides = array<i32>} : memref<3200xi32, #tpu.memory_space<vmem>>, vector<16xi32>,
      %scan3A_29 = arith.constant 0 : i32
      %scan3A_30 = arith.constant 2 : i32
      %scan3A_31 = arith.addi %scan3A_14, %scan3A_30 : i32
      %broadcast_in_dim3A_32 = arith.constant -1 : i32
      %broadcast_in_dim3A_33 = vector.broadcast %broadcast_in_dim3A_32 : i32 to vector<16xi32>
      %mul3A_34 = arith.constant 16 : i32
      %mul3A_35 = arith.muli %scan3A_31, %mul3A_34 : i32
      %swap3A_36 = arith.index_cast %mul3A_35 : i32 to index
      %swap3A_37 = tpu.vector_load %arg10[%swap3A_36] {strides = array<i32>} : memref<3200xi32, #tpu.memory_space<vmem>>, vector<16xi32>,
      tpu.vector_store %arg10[%swap3A_36], %broadcast_in_dim3A_33 {strides = array<i32>} : memref<3200xi32, #tpu.memory_space<vmem>>, vector<16xi32>,
      %scan3A_38 = arith.constant 0 : i32
      %scan3A_39 = arith.constant 3 : i32
      %scan3A_40 = arith.addi %scan3A_14, %scan3A_39 : i32
      %broadcast_in_dim3A_41 = arith.constant -1 : i32
      %broadcast_in_dim3A_42 = vector.broadcast %broadcast_in_dim3A_41 : i32 to vector<16xi32>
      %mul3A_43 = arith.constant 16 : i32
      %mul3A_44 = arith.muli %scan3A_40, %mul3A_43 : i32
      %swap3A_45 = arith.index_cast %mul3A_44 : i32 to index
      %swap3A_46 = tpu.vector_load %arg10[%swap3A_45] {strides = array<i32>} : memref<3200xi32, #tpu.memory_space<vmem>>, vector<16xi32>,
      tpu.vector_store %arg10[%swap3A_45], %broadcast_in_dim3A_42 {strides = array<i32>} : memref<3200xi32, #tpu.memory_space<vmem>>, vector<16xi32>,
      %scan3A_47 = arith.constant 0 : i32
      scf.yield %scan3A_47 : i32
    }
    %scan3A_6 = arith.constant 200 : i32
    %eq3A = arith.constant 0 : i32
    %eq3A_7 = arith.cmpi eq, %arg0, %eq3A : i32
    %convert_element_type3A = arith.extui %eq3A_7 : i1 to i32
    %cond3A = arith.constant 0 : i32
    %cond3A_8 = arith.cmpi ne, %convert_element_type3A, %cond3A : i32
    scf.if %cond3A_8 {
      "tpu.region"() ({
        %run_scoped3A = tpu.sem_alloc : memref<!tpu.dma_semaphore, #tpu.memory_space<semaphore_mem>>
        tpu.enqueue_dma source(%arg2 : memref<51200xi32, #tpu.memory_space<hbm>>) target(%arg8 : memref<51200xi32, #tpu.memory_space<vmem>>) target_semaphore(%run_scoped3A : memref<!tpu.dma_semaphore, #tpu.memory_space<semaphore_mem>>)
        tpu.wait_dma2 semaphore(%run_scoped3A : memref<!tpu.dma_semaphore, #tpu.memory_space<semaphore_mem>>) src(%arg2 : memref<51200xi32, #tpu.memory_space<hbm>>) dst(%arg8 : memref<51200xi32, #tpu.memory_space<vmem>>)
        tpu.yield
      }) : () -> ()
      "tpu.region"() ({
        %run_scoped3A = tpu.sem_alloc : memref<!tpu.dma_semaphore, #tpu.memory_space<semaphore_mem>>
        tpu.enqueue_dma source(%arg3 : memref<51200xi32, #tpu.memory_space<hbm>>) target(%arg9 : memref<51200xi32, #tpu.memory_space<vmem>>) target_semaphore(%run_scoped3A : memref<!tpu.dma_semaphore, #tpu.memory_space<semaphore_mem>>)
        tpu.wait_dma2 semaphore(%run_scoped3A : memref<!tpu.dma_semaphore, #tpu.memory_space<semaphore_mem>>) src(%arg3 : memref<51200xi32, #tpu.memory_space<hbm>>) dst(%arg9 : memref<51200xi32, #tpu.memory_space<vmem>>)
        tpu.yield
      }) : () -> ()
      %scan3A_14 = arith.constant 0 : i32
      %scan3A_15 = arith.constant 0 : i32
      %scan3A_16 = arith.constant 400 : i32
      %scan3A_17 = arith.addi %scan3A_15, %scan3A_16 : i32
      %scan3A_18 = arith.constant 1 : i32
      %scan3A_19 = scf.for %scan3A_21 = %scan3A_15 to %scan3A_17 step %scan3A_18 iter_args(%scan3A_22 = %scan3A_14) -> (i32)  : i32 {
        %mul3A_23 = arith.constant 8 : i32
        %mul3A_24 = arith.muli %scan3A_21, %mul3A_23 : i32
        %add3A = arith.constant 0 : i32
        %add3A_25 = arith.addi %mul3A_24, %add3A : i32
        %mul3A_26 = arith.constant 16 : i32
        %mul3A_27 = arith.muli %add3A_25, %mul3A_26 : i32
        %get3A = arith.index_cast %mul3A_27 : i32 to index
        %get3A_28 = tpu.vector_load %arg9[%get3A] {strides = array<i32>} : memref<51200xi32, #tpu.memory_space<vmem>>, vector<16xi32>,
        %mul3A_29 = arith.constant 1024 : i32
        %mul3A_30 = vector.broadcast %mul3A_29 : i32 to vector<16xi32>
        %mul3A_31 = arith.muli %get3A_28, %mul3A_30 : vector<16xi32>
        %get3A_32 = arith.index_cast %mul3A_27 : i32 to index
        %get3A_33 = tpu.vector_load %arg8[%get3A_32] {strides = array<i32>} : memref<51200xi32, #tpu.memory_space<vmem>>, vector<16xi32>,
        %add3A_34 = arith.addi %mul3A_31, %get3A_33 : vector<16xi32>
        %ge3A = vector.broadcast %mul3A_0 : i32 to vector<16xi32>
        %ge3A_35 = arith.cmpi sge, %add3A_34, %ge3A : vector<16xi32>
        %add3A_36 = arith.constant 3200 : i32
        %add3A_37 = arith.addi %mul3A_0, %add3A_36 : i32
        %lt3A = vector.broadcast %add3A_37 : i32 to vector<16xi32>
        %lt3A_38 = arith.cmpi slt, %add3A_34, %lt3A : vector<16xi32>
        %and3A = arith.andi %ge3A_35, %lt3A_38 : vector<16xi1>
        %sub3A = vector.broadcast %mul3A_0 : i32 to vector<16xi32>
        %sub3A_39 = arith.subi %add3A_34, %sub3A : vector<16xi32>
        %mul3A_40 = arith.constant 16 : i32
        %mul3A_41 = arith.muli %add3A_25, %mul3A_40 : i32
        %add3A_42 = vector.broadcast %mul3A_41 : i32 to vector<16xi32>
        %add3A_43 = arith.addi %add3A_42, %iota3A : vector<16xi32>
        %mul3A_44 = arith.constant 8 : i32
        %mul3A_45 = arith.muli %scan3A_21, %mul3A_44 : i32
        %add3A_46 = arith.constant 1 : i32
        %add3A_47 = arith.addi %mul3A_45, %add3A_46 : i32
        %mul3A_48 = arith.constant 16 : i32
        %mul3A_49 = arith.muli %add3A_47, %mul3A_48 : i32
        %get3A_50 = arith.index_cast %mul3A_49 : i32 to index
        %get3A_51 = tpu.vector_load %arg9[%get3A_50] {strides = array<i32>} : memref<51200xi32, #tpu.memory_space<vmem>>, vector<16xi32>,
        %mul3A_52 = arith.constant 1024 : i32
        %mul3A_53 = vector.broadcast %mul3A_52 : i32 to vector<16xi32>
        %mul3A_54 = arith.muli %get3A_51, %mul3A_53 : vector<16xi32>
        %get3A_55 = arith.index_cast %mul3A_49 : i32 to index
        %get3A_56 = tpu.vector_load %arg8[%get3A_55] {strides = array<i32>} : memref<51200xi32, #tpu.memory_space<vmem>>, vector<16xi32>,
        %add3A_57 = arith.addi %mul3A_54, %get3A_56 : vector<16xi32>
        %ge3A_58 = vector.broadcast %mul3A_0 : i32 to vector<16xi32>
        %ge3A_59 = arith.cmpi sge, %add3A_57, %ge3A_58 : vector<16xi32>
        %add3A_60 = arith.constant 3200 : i32
        %add3A_61 = arith.addi %mul3A_0, %add3A_60 : i32
        %lt3A_62 = vector.broadcast %add3A_61 : i32 to vector<16xi32>
        %lt3A_63 = arith.cmpi slt, %add3A_57, %lt3A_62 : vector<16xi32>
        %and3A_64 = arith.andi %ge3A_59, %lt3A_63 : vector<16xi1>
        %sub3A_65 = vector.broadcast %mul3A_0 : i32 to vector<16xi32>
        %sub3A_66 = arith.subi %add3A_57, %sub3A_65 : vector<16xi32>
        %mul3A_67 = arith.constant 16 : i32
        %mul3A_68 = arith.muli %add3A_47, %mul3A_67 : i32
        %add3A_69 = vector.broadcast %mul3A_68 : i32 to vector<16xi32>
        %add3A_70 = arith.addi %add3A_69, %iota3A : vector<16xi32>
        %mul3A_71 = arith.constant 8 : i32
        %mul3A_72 = arith.muli %scan3A_21, %mul3A_71 : i32
        %add3A_73 = arith.constant 2 : i32
        %add3A_74 = arith.addi %mul3A_72, %add3A_73 : i32
        %mul3A_75 = arith.constant 16 : i32
        %mul3A_76 = arith.muli %add3A_74, %mul3A_75 : i32
        %get3A_77 = arith.index_cast %mul3A_76 : i32 to index
        %get3A_78 = tpu.vector_load %arg9[%get3A_77] {strides = array<i32>} : memref<51200xi32, #tpu.memory_space<vmem>>, vector<16xi32>,
        %mul3A_79 = arith.constant 1024 : i32
        %mul3A_80 = vector.broadcast %mul3A_79 : i32 to vector<16xi32>
        %mul3A_81 = arith.muli %get3A_78, %mul3A_80 : vector<16xi32>
        %get3A_82 = arith.index_cast %mul3A_76 : i32 to index
        %get3A_83 = tpu.vector_load %arg8[%get3A_82] {strides = array<i32>} : memref<51200xi32, #tpu.memory_space<vmem>>, vector<16xi32>,
        %add3A_84 = arith.addi %mul3A_81, %get3A_83 : vector<16xi32>
        %ge3A_85 = vector.broadcast %mul3A_0 : i32 to vector<16xi32>
        %ge3A_86 = arith.cmpi sge, %add3A_84, %ge3A_85 : vector<16xi32>
        %add3A_87 = arith.constant 3200 : i32
        %add3A_88 = arith.addi %mul3A_0, %add3A_87 : i32
        %lt3A_89 = vector.broadcast %add3A_88 : i32 to vector<16xi32>
        %lt3A_90 = arith.cmpi slt, %add3A_84, %lt3A_89 : vector<16xi32>
        %and3A_91 = arith.andi %ge3A_86, %lt3A_90 : vector<16xi1>
        %sub3A_92 = vector.broadcast %mul3A_0 : i32 to vector<16xi32>
        %sub3A_93 = arith.subi %add3A_84, %sub3A_92 : vector<16xi32>
        %mul3A_94 = arith.constant 16 : i32
        %mul3A_95 = arith.muli %add3A_74, %mul3A_94 : i32
        %add3A_96 = vector.broadcast %mul3A_95 : i32 to vector<16xi32>
        %add3A_97 = arith.addi %add3A_96, %iota3A : vector<16xi32>
        %mul3A_98 = arith.constant 8 : i32
        %mul3A_99 = arith.muli %scan3A_21, %mul3A_98 : i32
        %add3A_100 = arith.constant 3 : i32
        %add3A_101 = arith.addi %mul3A_99, %add3A_100 : i32
        %mul3A_102 = arith.constant 16 : i32
        %mul3A_103 = arith.muli %add3A_101, %mul3A_102 : i32
        %get3A_104 = arith.index_cast %mul3A_103 : i32 to index
        %get3A_105 = tpu.vector_load %arg9[%get3A_104] {strides = array<i32>} : memref<51200xi32, #tpu.memory_space<vmem>>, vector<16xi32>,
        %mul3A_106 = arith.constant 1024 : i32
        %mul3A_107 = vector.broadcast %mul3A_106 : i32 to vector<16xi32>
        %mul3A_108 = arith.muli %get3A_105, %mul3A_107 : vector<16xi32>
        %get3A_109 = arith.index_cast %mul3A_103 : i32 to index
        %get3A_110 = tpu.vector_load %arg8[%get3A_109] {strides = array<i32>} : memref<51200xi32, #tpu.memory_space<vmem>>, vector<16xi32>,
        %add3A_111 = arith.addi %mul3A_108, %get3A_110 : vector<16xi32>
        %ge3A_112 = vector.broadcast %mul3A_0 : i32 to vector<16xi32>
        %ge3A_113 = arith.cmpi sge, %add3A_111, %ge3A_112 : vector<16xi32>
        %add3A_114 = arith.constant 3200 : i32
        %add3A_115 = arith.addi %mul3A_0, %add3A_114 : i32
        %lt3A_116 = vector.broadcast %add3A_115 : i32 to vector<16xi32>
        %lt3A_117 = arith.cmpi slt, %add3A_111, %lt3A_116 : vector<16xi32>
        %and3A_118 = arith.andi %ge3A_113, %lt3A_117 : vector<16xi1>
        %sub3A_119 = vector.broadcast %mul3A_0 : i32 to vector<16xi32>
        %sub3A_120 = arith.subi %add3A_111, %sub3A_119 : vector<16xi32>
        %mul3A_121 = arith.constant 16 : i32
        %mul3A_122 = arith.muli %add3A_101, %mul3A_121 : i32
        %add3A_123 = vector.broadcast %mul3A_122 : i32 to vector<16xi32>
        %add3A_124 = arith.addi %add3A_123, %iota3A : vector<16xi32>
        %mul3A_125 = arith.constant 8 : i32
        %mul3A_126 = arith.muli %scan3A_21, %mul3A_125 : i32
        %add3A_127 = arith.constant 4 : i32
        %add3A_128 = arith.addi %mul3A_126, %add3A_127 : i32
        %mul3A_129 = arith.constant 16 : i32
        %mul3A_130 = arith.muli %add3A_128, %mul3A_129 : i32
        %get3A_131 = arith.index_cast %mul3A_130 : i32 to index
        %get3A_132 = tpu.vector_load %arg9[%get3A_131] {strides = array<i32>} : memref<51200xi32, #tpu.memory_space<vmem>>, vector<16xi32>,
        %mul3A_133 = arith.constant 1024 : i32
        %mul3A_134 = vector.broadcast %mul3A_133 : i32 to vector<16xi32>
        %mul3A_135 = arith.muli %get3A_132, %mul3A_134 : vector<16xi32>
        %get3A_136 = arith.index_cast %mul3A_130 : i32 to index
        %get3A_137 = tpu.vector_load %arg8[%get3A_136] {strides = array<i32>} : memref<51200xi32, #tpu.memory_space<vmem>>, vector<16xi32>,
        %add3A_138 = arith.addi %mul3A_135, %get3A_137 : vector<16xi32>
        %ge3A_139 = vector.broadcast %mul3A_0 : i32 to vector<16xi32>
        %ge3A_140 = arith.cmpi sge, %add3A_138, %ge3A_139 : vector<16xi32>
        %add3A_141 = arith.constant 3200 : i32
        %add3A_142 = arith.addi %mul3A_0, %add3A_141 : i32
        %lt3A_143 = vector.broadcast %add3A_142 : i32 to vector<16xi32>
        %lt3A_144 = arith.cmpi slt, %add3A_138, %lt3A_143 : vector<16xi32>
        %and3A_145 = arith.andi %ge3A_140, %lt3A_144 : vector<16xi1>
        %sub3A_146 = vector.broadcast %mul3A_0 : i32 to vector<16xi32>
        %sub3A_147 = arith.subi %add3A_138, %sub3A_146 : vector<16xi32>
        %mul3A_148 = arith.constant 16 : i32
        %mul3A_149 = arith.muli %add3A_128, %mul3A_148 : i32
        %add3A_150 = vector.broadcast %mul3A_149 : i32 to vector<16xi32>
        %add3A_151 = arith.addi %add3A_150, %iota3A : vector<16xi32>
        %mul3A_152 = arith.constant 8 : i32
        %mul3A_153 = arith.muli %scan3A_21, %mul3A_152 : i32
        %add3A_154 = arith.constant 5 : i32
        %add3A_155 = arith.addi %mul3A_153, %add3A_154 : i32
        %mul3A_156 = arith.constant 16 : i32
        %mul3A_157 = arith.muli %add3A_155, %mul3A_156 : i32
        %get3A_158 = arith.index_cast %mul3A_157 : i32 to index
        %get3A_159 = tpu.vector_load %arg9[%get3A_158] {strides = array<i32>} : memref<51200xi32, #tpu.memory_space<vmem>>, vector<16xi32>,
        %mul3A_160 = arith.constant 1024 : i32
        %mul3A_161 = vector.broadcast %mul3A_160 : i32 to vector<16xi32>
        %mul3A_162 = arith.muli %get3A_159, %mul3A_161 : vector<16xi32>
        %get3A_163 = arith.index_cast %mul3A_157 : i32 to index
        %get3A_164 = tpu.vector_load %arg8[%get3A_163] {strides = array<i32>} : memref<51200xi32, #tpu.memory_space<vmem>>, vector<16xi32>,
        %add3A_165 = arith.addi %mul3A_162, %get3A_164 : vector<16xi32>
        %ge3A_166 = vector.broadcast %mul3A_0 : i32 to vector<16xi32>
        %ge3A_167 = arith.cmpi sge, %add3A_165, %ge3A_166 : vector<16xi32>
        %add3A_168 = arith.constant 3200 : i32
        %add3A_169 = arith.addi %mul3A_0, %add3A_168 : i32
        %lt3A_170 = vector.broadcast %add3A_169 : i32 to vector<16xi32>
        %lt3A_171 = arith.cmpi slt, %add3A_165, %lt3A_170 : vector<16xi32>
        %and3A_172 = arith.andi %ge3A_167, %lt3A_171 : vector<16xi1>
        %sub3A_173 = vector.broadcast %mul3A_0 : i32 to vector<16xi32>
        %sub3A_174 = arith.subi %add3A_165, %sub3A_173 : vector<16xi32>
        %mul3A_175 = arith.constant 16 : i32
        %mul3A_176 = arith.muli %add3A_155, %mul3A_175 : i32
        %add3A_177 = vector.broadcast %mul3A_176 : i32 to vector<16xi32>
        %add3A_178 = arith.addi %add3A_177, %iota3A : vector<16xi32>
        %mul3A_179 = arith.constant 8 : i32
        %mul3A_180 = arith.muli %scan3A_21, %mul3A_179 : i32
        %add3A_181 = arith.constant 6 : i32
        %add3A_182 = arith.addi %mul3A_180, %add3A_181 : i32
        %mul3A_183 = arith.constant 16 : i32
        %mul3A_184 = arith.muli %add3A_182, %mul3A_183 : i32
        %get3A_185 = arith.index_cast %mul3A_184 : i32 to index
        %get3A_186 = tpu.vector_load %arg9[%get3A_185] {strides = array<i32>} : memref<51200xi32, #tpu.memory_space<vmem>>, vector<16xi32>,
        %mul3A_187 = arith.constant 1024 : i32
        %mul3A_188 = vector.broadcast %mul3A_187 : i32 to vector<16xi32>
        %mul3A_189 = arith.muli %get3A_186, %mul3A_188 : vector<16xi32>
        %get3A_190 = arith.index_cast %mul3A_184 : i32 to index
        %get3A_191 = tpu.vector_load %arg8[%get3A_190] {strides = array<i32>} : memref<51200xi32, #tpu.memory_space<vmem>>, vector<16xi32>,
        %add3A_192 = arith.addi %mul3A_189, %get3A_191 : vector<16xi32>
        %ge3A_193 = vector.broadcast %mul3A_0 : i32 to vector<16xi32>
        %ge3A_194 = arith.cmpi sge, %add3A_192, %ge3A_193 : vector<16xi32>
        %add3A_195 = arith.constant 3200 : i32
        %add3A_196 = arith.addi %mul3A_0, %add3A_195 : i32
        %lt3A_197 = vector.broadcast %add3A_196 : i32 to vector<16xi32>
        %lt3A_198 = arith.cmpi slt, %add3A_192, %lt3A_197 : vector<16xi32>
        %and3A_199 = arith.andi %ge3A_194, %lt3A_198 : vector<16xi1>
        %sub3A_200 = vector.broadcast %mul3A_0 : i32 to vector<16xi32>
        %sub3A_201 = arith.subi %add3A_192, %sub3A_200 : vector<16xi32>
        %mul3A_202 = arith.constant 16 : i32
        %mul3A_203 = arith.muli %add3A_182, %mul3A_202 : i32
        %add3A_204 = vector.broadcast %mul3A_203 : i32 to vector<16xi32>
        %add3A_205 = arith.addi %add3A_204, %iota3A : vector<16xi32>
        %mul3A_206 = arith.constant 8 : i32
        %mul3A_207 = arith.muli %scan3A_21, %mul3A_206 : i32
        %add3A_208 = arith.constant 7 : i32
        %add3A_209 = arith.addi %mul3A_207, %add3A_208 : i32
        %mul3A_210 = arith.constant 16 : i32
        %mul3A_211 = arith.muli %add3A_209, %mul3A_210 : i32
        %get3A_212 = arith.index_cast %mul3A_211 : i32 to index
        %get3A_213 = tpu.vector_load %arg9[%get3A_212] {strides = array<i32>} : memref<51200xi32, #tpu.memory_space<vmem>>, vector<16xi32>,
        %mul3A_214 = arith.constant 1024 : i32
        %mul3A_215 = vector.broadcast %mul3A_214 : i32 to vector<16xi32>
        %mul3A_216 = arith.muli %get3A_213, %mul3A_215 : vector<16xi32>
        %get3A_217 = arith.index_cast %mul3A_211 : i32 to index
        %get3A_218 = tpu.vector_load %arg8[%get3A_217] {strides = array<i32>} : memref<51200xi32, #tpu.memory_space<vmem>>, vector<16xi32>,
        %add3A_219 = arith.addi %mul3A_216, %get3A_218 : vector<16xi32>
        %ge3A_220 = vector.broadcast %mul3A_0 : i32 to vector<16xi32>
        %ge3A_221 = arith.cmpi sge, %add3A_219, %ge3A_220 : vector<16xi32>
        %add3A_222 = arith.constant 3200 : i32
        %add3A_223 = arith.addi %mul3A_0, %add3A_222 : i32
        %lt3A_224 = vector.broadcast %add3A_223 : i32 to vector<16xi32>
        %lt3A_225 = arith.cmpi slt, %add3A_219, %lt3A_224 : vector<16xi32>
        %and3A_226 = arith.andi %ge3A_221, %lt3A_225 : vector<16xi1>
        %sub3A_227 = vector.broadcast %mul3A_0 : i32 to vector<16xi32>
        %sub3A_228 = arith.subi %add3A_219, %sub3A_227 : vector<16xi32>
        %mul3A_229 = arith.constant 16 : i32
        %mul3A_230 = arith.muli %add3A_209, %mul3A_229 : i32
        %add3A_231 = vector.broadcast %mul3A_230 : i32 to vector<16xi32>
        %add3A_232 = arith.addi %add3A_231, %iota3A : vector<16xi32>
        tpu.vector_store_idx %arg10[%sub3A_39], %add3A_43 masked %and3A : memref<3200xi32, #tpu.memory_space<vmem>>[vector<16xi32>], vector<16xi32>, vector<16xi1>
        tpu.vector_store_idx %arg10[%sub3A_66], %add3A_70 masked %and3A_64 : memref<3200xi32, #tpu.memory_space<vmem>>[vector<16xi32>], vector<16xi32>, vector<16xi1>
        tpu.vector_store_idx %arg10[%sub3A_93], %add3A_97 masked %and3A_91 : memref<3200xi32, #tpu.memory_space<vmem>>[vector<16xi32>], vector<16xi32>, vector<16xi1>
        tpu.vector_store_idx %arg10[%sub3A_120], %add3A_124 masked %and3A_118 : memref<3200xi32, #tpu.memory_space<vmem>>[vector<16xi32>], vector<16xi32>, vector<16xi1>
        tpu.vector_store_idx %arg10[%sub3A_147], %add3A_151 masked %and3A_145 : memref<3200xi32, #tpu.memory_space<vmem>>[vector<16xi32>], vector<16xi32>, vector<16xi1>
        tpu.vector_store_idx %arg10[%sub3A_174], %add3A_178 masked %and3A_172 : memref<3200xi32, #tpu.memory_space<vmem>>[vector<16xi32>], vector<16xi32>, vector<16xi1>
        tpu.vector_store_idx %arg10[%sub3A_201], %add3A_205 masked %and3A_199 : memref<3200xi32, #tpu.memory_space<vmem>>[vector<16xi32>], vector<16xi32>, vector<16xi1>
        tpu.vector_store_idx %arg10[%sub3A_228], %add3A_232 masked %and3A_226 : memref<3200xi32, #tpu.memory_space<vmem>>[vector<16xi32>], vector<16xi32>, vector<16xi1>
        %broadcast_in_dim3A = arith.constant 0 : i32
        %broadcast_in_dim3A_233 = vector.broadcast %broadcast_in_dim3A : i32 to vector<16xi32>
        %gather3A = tpu.vector_load_idx %arg10[%sub3A_39] masked %and3A : memref<3200xi32, #tpu.memory_space<vmem>>[vector<16xi32>], vector<16xi32>, vector<16xi1>
        %lt3A_234 = arith.cmpi slt, %gather3A, %add3A_43 : vector<16xi32>
        %and3A_235 = arith.andi %and3A, %lt3A_234 : vector<16xi1>
        %convert_element_type3A_236 = arith.extui %and3A_235 : vector<16xi1> to vector<16xi32>
        %or3A = arith.ori %broadcast_in_dim3A_233, %convert_element_type3A_236 : vector<16xi32>
        %gather3A_237 = tpu.vector_load_idx %arg10[%sub3A_66] masked %and3A_64 : memref<3200xi32, #tpu.memory_space<vmem>>[vector<16xi32>], vector<16xi32>, vector<16xi1>
        %lt3A_238 = arith.cmpi slt, %gather3A_237, %add3A_70 : vector<16xi32>
        %and3A_239 = arith.andi %and3A_64, %lt3A_238 : vector<16xi1>
        %convert_element_type3A_240 = arith.extui %and3A_239 : vector<16xi1> to vector<16xi32>
        %or3A_241 = arith.ori %or3A, %convert_element_type3A_240 : vector<16xi32>
        %gather3A_242 = tpu.vector_load_idx %arg10[%sub3A_93] masked %and3A_91 : memref<3200xi32, #tpu.memory_space<vmem>>[vector<16xi32>], vector<16xi32>, vector<16xi1>
        %lt3A_243 = arith.cmpi slt, %gather3A_242, %add3A_97 : vector<16xi32>
        %and3A_244 = arith.andi %and3A_91, %lt3A_243 : vector<16xi1>
        %convert_element_type3A_245 = arith.extui %and3A_244 : vector<16xi1> to vector<16xi32>
        %or3A_246 = arith.ori %or3A_241, %convert_element_type3A_245 : vector<16xi32>
        %gather3A_247 = tpu.vector_load_idx %arg10[%sub3A_120] masked %and3A_118 : memref<3200xi32, #tpu.memory_space<vmem>>[vector<16xi32>], vector<16xi32>, vector<16xi1>
        %lt3A_248 = arith.cmpi slt, %gather3A_247, %add3A_124 : vector<16xi32>
        %and3A_249 = arith.andi %and3A_118, %lt3A_248 : vector<16xi1>
        %convert_element_type3A_250 = arith.extui %and3A_249 : vector<16xi1> to vector<16xi32>
        %or3A_251 = arith.ori %or3A_246, %convert_element_type3A_250 : vector<16xi32>
        %gather3A_252 = tpu.vector_load_idx %arg10[%sub3A_147] masked %and3A_145 : memref<3200xi32, #tpu.memory_space<vmem>>[vector<16xi32>], vector<16xi32>, vector<16xi1>
        %lt3A_253 = arith.cmpi slt, %gather3A_252, %add3A_151 : vector<16xi32>
        %and3A_254 = arith.andi %and3A_145, %lt3A_253 : vector<16xi1>
        %convert_element_type3A_255 = arith.extui %and3A_254 : vector<16xi1> to vector<16xi32>
        %or3A_256 = arith.ori %or3A_251, %convert_element_type3A_255 : vector<16xi32>
        %gather3A_257 = tpu.vector_load_idx %arg10[%sub3A_174] masked %and3A_172 : memref<3200xi32, #tpu.memory_space<vmem>>[vector<16xi32>], vector<16xi32>, vector<16xi1>
        %lt3A_258 = arith.cmpi slt, %gather3A_257, %add3A_178 : vector<16xi32>
        %and3A_259 = arith.andi %and3A_172, %lt3A_258 : vector<16xi1>
        %convert_element_type3A_260 = arith.extui %and3A_259 : vector<16xi1> to vector<16xi32>
        %or3A_261 = arith.ori %or3A_256, %convert_element_type3A_260 : vector<16xi32>
        %gather3A_262 = tpu.vector_load_idx %arg10[%sub3A_201] masked %and3A_199 : memref<3200xi32, #tpu.memory_space<vmem>>[vector<16xi32>], vector<16xi32>, vector<16xi1>
        %lt3A_263 = arith.cmpi slt, %gather3A_262, %add3A_205 : vector<16xi32>
        %and3A_264 = arith.andi %and3A_199, %lt3A_263 : vector<16xi1>
        %convert_element_type3A_265 = arith.extui %and3A_264 : vector<16xi1> to vector<16xi32>
        %or3A_266 = arith.ori %or3A_261, %convert_element_type3A_265 : vector<16xi32>
        %gather3A_267 = tpu.vector_load_idx %arg10[%sub3A_228] masked %and3A_226 : memref<3200xi32, #tpu.memory_space<vmem>>[vector<16xi32>], vector<16xi32>, vector<16xi1>
        %lt3A_268 = arith.cmpi slt, %gather3A_267, %add3A_232 : vector<16xi32>
        %and3A_269 = arith.andi %and3A_226, %lt3A_268 : vector<16xi1>
        %convert_element_type3A_270 = arith.extui %and3A_269 : vector<16xi1> to vector<16xi32>
        %or3A_271 = arith.ori %or3A_266, %convert_element_type3A_270 : vector<16xi32>
        %reduce_max3A = arith.constant true
        %reduce_max3A_272 = vector.broadcast %reduce_max3A : i1 to vector<16xi1>
        %reduce_max3A_273 = arith.constant -2147483648 : i32
        %reduce_max3A_274 = vector.broadcast %reduce_max3A_273 : i32 to vector<16xi32>
        %reduce_max3A_275 = arith.xori %or3A_271, %reduce_max3A_274 : vector<16xi32>
        %reduce_max3A_276 = tpu.scan <max>, %reduce_max3A_275 masked %reduce_max3A_272 : vector<16xi32>, vector<16xi1> -> vector<16xi32>
        %reduce_max3A_277 = arith.xori %reduce_max3A_276, %reduce_max3A_274 : vector<16xi32>
        %reduce_max3A_278 = vector.extract %reduce_max3A_277[15] : i32 from vector<16xi32>
        %gt3A = arith.constant 0 : i32
        %gt3A_279 = arith.cmpi sgt, %reduce_max3A_278, %gt3A : i32
        %convert_element_type3A_280 = arith.extui %gt3A_279 : i1 to i32
        %cond3A_281 = arith.constant 0 : i32
        %cond3A_282 = arith.cmpi ne, %convert_element_type3A_280, %cond3A_281 : i32
        scf.if %cond3A_282 {
          %while3A:8 = scf.while (%while3A_284 = %and3A_235, %while3A_285 = %and3A_239, %while3A_286 = %and3A_244, %while3A_287 = %and3A_249, %while3A_288 = %and3A_254, %while3A_289 = %and3A_259, %while3A_290 = %and3A_264, %while3A_291 = %and3A_269) : (vector<16xi1>, vector<16xi1>, vector<16xi1>, vector<16xi1>, vector<16xi1>, vector<16xi1>, vector<16xi1>, vector<16xi1>) -> (vector<16xi1>, vector<16xi1>, vector<16xi1>, vector<16xi1>, vector<16xi1>, vector<16xi1>, vector<16xi1>, vector<16xi1>) {
            %convert_element_type3A_292 = arith.extui %while3A_284 : vector<16xi1> to vector<16xi32>
            %convert_element_type3A_293 = arith.extui %while3A_285 : vector<16xi1> to vector<16xi32>
            %or3A_294 = arith.ori %convert_element_type3A_292, %convert_element_type3A_293 : vector<16xi32>
            %convert_element_type3A_295 = arith.extui %while3A_286 : vector<16xi1> to vector<16xi32>
            %or3A_296 = arith.ori %or3A_294, %convert_element_type3A_295 : vector<16xi32>
            %convert_element_type3A_297 = arith.extui %while3A_287 : vector<16xi1> to vector<16xi32>
            %or3A_298 = arith.ori %or3A_296, %convert_element_type3A_297 : vector<16xi32>
            %convert_element_type3A_299 = arith.extui %while3A_288 : vector<16xi1> to vector<16xi32>
            %or3A_300 = arith.ori %or3A_298, %convert_element_type3A_299 : vector<16xi32>
            %convert_element_type3A_301 = arith.extui %while3A_289 : vector<16xi1> to vector<16xi32>
            %or3A_302 = arith.ori %or3A_300, %convert_element_type3A_301 : vector<16xi32>
            %convert_element_type3A_303 = arith.extui %while3A_290 : vector<16xi1> to vector<16xi32>
            %or3A_304 = arith.ori %or3A_302, %convert_element_type3A_303 : vector<16xi32>
            %convert_element_type3A_305 = arith.extui %while3A_291 : vector<16xi1> to vector<16xi32>
            %or3A_306 = arith.ori %or3A_304, %convert_element_type3A_305 : vector<16xi32>
            %reduce_max3A_307 = arith.constant true
            %reduce_max3A_308 = vector.broadcast %reduce_max3A_307 : i1 to vector<16xi1>
            %reduce_max3A_309 = arith.constant -2147483648 : i32
            %reduce_max3A_310 = vector.broadcast %reduce_max3A_309 : i32 to vector<16xi32>
            %reduce_max3A_311 = arith.xori %or3A_306, %reduce_max3A_310 : vector<16xi32>
            %reduce_max3A_312 = tpu.scan <max>, %reduce_max3A_311 masked %reduce_max3A_308 : vector<16xi32>, vector<16xi1> -> vector<16xi32>
            %reduce_max3A_313 = arith.xori %reduce_max3A_312, %reduce_max3A_310 : vector<16xi32>
            %reduce_max3A_314 = vector.extract %reduce_max3A_313[15] : i32 from vector<16xi32>
            %gt3A_315 = arith.constant 0 : i32
            %gt3A_316 = arith.cmpi sgt, %reduce_max3A_314, %gt3A_315 : i32
            scf.condition(%gt3A_316) %while3A_284, %while3A_285, %while3A_286, %while3A_287, %while3A_288, %while3A_289, %while3A_290, %while3A_291 : vector<16xi1>, vector<16xi1>, vector<16xi1>, vector<16xi1>, vector<16xi1>, vector<16xi1>, vector<16xi1>, vector<16xi1>
          } do {
          ^bb0(%while3A_284: vector<16xi1>, %while3A_285: vector<16xi1>, %while3A_286: vector<16xi1>, %while3A_287: vector<16xi1>, %while3A_288: vector<16xi1>, %while3A_289: vector<16xi1>, %while3A_290: vector<16xi1>, %while3A_291: vector<16xi1>):
            tpu.vector_store_idx %arg10[%sub3A_39], %add3A_43 masked %while3A_284 : memref<3200xi32, #tpu.memory_space<vmem>>[vector<16xi32>], vector<16xi32>, vector<16xi1>
            tpu.vector_store_idx %arg10[%sub3A_66], %add3A_70 masked %while3A_285 : memref<3200xi32, #tpu.memory_space<vmem>>[vector<16xi32>], vector<16xi32>, vector<16xi1>
            tpu.vector_store_idx %arg10[%sub3A_93], %add3A_97 masked %while3A_286 : memref<3200xi32, #tpu.memory_space<vmem>>[vector<16xi32>], vector<16xi32>, vector<16xi1>
            tpu.vector_store_idx %arg10[%sub3A_120], %add3A_124 masked %while3A_287 : memref<3200xi32, #tpu.memory_space<vmem>>[vector<16xi32>], vector<16xi32>, vector<16xi1>
            tpu.vector_store_idx %arg10[%sub3A_147], %add3A_151 masked %while3A_288 : memref<3200xi32, #tpu.memory_space<vmem>>[vector<16xi32>], vector<16xi32>, vector<16xi1>
            tpu.vector_store_idx %arg10[%sub3A_174], %add3A_178 masked %while3A_289 : memref<3200xi32, #tpu.memory_space<vmem>>[vector<16xi32>], vector<16xi32>, vector<16xi1>
            tpu.vector_store_idx %arg10[%sub3A_201], %add3A_205 masked %while3A_290 : memref<3200xi32, #tpu.memory_space<vmem>>[vector<16xi32>], vector<16xi32>, vector<16xi1>
            tpu.vector_store_idx %arg10[%sub3A_228], %add3A_232 masked %while3A_291 : memref<3200xi32, #tpu.memory_space<vmem>>[vector<16xi32>], vector<16xi32>, vector<16xi1>
            %gather3A_292 = tpu.vector_load_idx %arg10[%sub3A_39] masked %while3A_284 : memref<3200xi32, #tpu.memory_space<vmem>>[vector<16xi32>], vector<16xi32>, vector<16xi1>
            %lt3A_293 = arith.cmpi slt, %gather3A_292, %add3A_43 : vector<16xi32>
            %and3A_294 = arith.andi %while3A_284, %lt3A_293 : vector<16xi1>
            %gather3A_295 = tpu.vector_load_idx %arg10[%sub3A_66] masked %while3A_285 : memref<3200xi32, #tpu.memory_space<vmem>>[vector<16xi32>], vector<16xi32>, vector<16xi1>
            %lt3A_296 = arith.cmpi slt, %gather3A_295, %add3A_70 : vector<16xi32>
            %and3A_297 = arith.andi %while3A_285, %lt3A_296 : vector<16xi1>
            %gather3A_298 = tpu.vector_load_idx %arg10[%sub3A_93] masked %while3A_286 : memref<3200xi32, #tpu.memory_space<vmem>>[vector<16xi32>], vector<16xi32>, vector<16xi1>
            %lt3A_299 = arith.cmpi slt, %gather3A_298, %add3A_97 : vector<16xi32>
            %and3A_300 = arith.andi %while3A_286, %lt3A_299 : vector<16xi1>
            %gather3A_301 = tpu.vector_load_idx %arg10[%sub3A_120] masked %while3A_287 : memref<3200xi32, #tpu.memory_space<vmem>>[vector<16xi32>], vector<16xi32>, vector<16xi1>
            %lt3A_302 = arith.cmpi slt, %gather3A_301, %add3A_124 : vector<16xi32>
            %and3A_303 = arith.andi %while3A_287, %lt3A_302 : vector<16xi1>
            %gather3A_304 = tpu.vector_load_idx %arg10[%sub3A_147] masked %while3A_288 : memref<3200xi32, #tpu.memory_space<vmem>>[vector<16xi32>], vector<16xi32>, vector<16xi1>
            %lt3A_305 = arith.cmpi slt, %gather3A_304, %add3A_151 : vector<16xi32>
            %and3A_306 = arith.andi %while3A_288, %lt3A_305 : vector<16xi1>
            %gather3A_307 = tpu.vector_load_idx %arg10[%sub3A_174] masked %while3A_289 : memref<3200xi32, #tpu.memory_space<vmem>>[vector<16xi32>], vector<16xi32>, vector<16xi1>
            %lt3A_308 = arith.cmpi slt, %gather3A_307, %add3A_178 : vector<16xi32>
            %and3A_309 = arith.andi %while3A_289, %lt3A_308 : vector<16xi1>
            %gather3A_310 = tpu.vector_load_idx %arg10[%sub3A_201] masked %while3A_290 : memref<3200xi32, #tpu.memory_space<vmem>>[vector<16xi32>], vector<16xi32>, vector<16xi1>
            %lt3A_311 = arith.cmpi slt, %gather3A_310, %add3A_205 : vector<16xi32>
            %and3A_312 = arith.andi %while3A_290, %lt3A_311 : vector<16xi1>
            %gather3A_313 = tpu.vector_load_idx %arg10[%sub3A_228] masked %while3A_291 : memref<3200xi32, #tpu.memory_space<vmem>>[vector<16xi32>], vector<16xi32>, vector<16xi1>
            %lt3A_314 = arith.cmpi slt, %gather3A_313, %add3A_232 : vector<16xi32>
            %and3A_315 = arith.andi %while3A_291, %lt3A_314 : vector<16xi1>
            scf.yield %and3A_294, %and3A_297, %and3A_300, %and3A_303, %and3A_306, %and3A_309, %and3A_312, %and3A_315 : vector<16xi1>, vector<16xi1>, vector<16xi1>, vector<16xi1>, vector<16xi1>, vector<16xi1>, vector<16xi1>, vector<16xi1>
          }
        } else {
        }
        %scan3A_283 = arith.constant 0 : i32
        scf.yield %scan3A_283 : i32
      }
      %scan3A_20 = arith.constant 400 : i32
      "tpu.region"() ({
        %run_scoped3A = tpu.sem_alloc : memref<!tpu.dma_semaphore, #tpu.memory_space<semaphore_mem>>
        %dma_start3A = tpu.memref_slice %arg6[%mul3A_0] : memref<51200xi32, #tpu.memory_space<hbm>> -> memref<3200xi32, #tpu.memory_space<hbm>>
        %dma_start3A_21 = tpu.memref_slice %arg6[%mul3A_0] : memref<51200xi32, #tpu.memory_space<hbm>> -> memref<3200xi32, #tpu.memory_space<hbm>>
        tpu.enqueue_dma source(%arg10 : memref<3200xi32, #tpu.memory_space<vmem>>) target(%dma_start3A_21 : memref<3200xi32, #tpu.memory_space<hbm>>) target_semaphore(%run_scoped3A : memref<!tpu.dma_semaphore, #tpu.memory_space<semaphore_mem>>)
        %dma_wait3A = tpu.memref_slice %arg6[%mul3A_0] : memref<51200xi32, #tpu.memory_space<hbm>> -> memref<3200xi32, #tpu.memory_space<hbm>>
        %dma_wait3A_22 = tpu.memref_slice %arg6[%mul3A_0] : memref<51200xi32, #tpu.memory_space<hbm>> -> memref<3200xi32, #tpu.memory_space<hbm>>
        tpu.wait_dma2 semaphore(%run_scoped3A : memref<!tpu.dma_semaphore, #tpu.memory_space<semaphore_mem>>) src(%arg10 : memref<3200xi32, #tpu.memory_space<vmem>>) dst(%dma_wait3A_22 : memref<3200xi32, #tpu.memory_space<hbm>>)
        tpu.yield
      }) : () -> ()
    } else {
    }
    %eq3A_9 = arith.constant 1 : i32
    %eq3A_10 = arith.cmpi eq, %arg0, %eq3A_9 : i32
    %convert_element_type3A_11 = arith.extui %eq3A_10 : i1 to i32
    %cond3A_12 = arith.constant 0 : i32
    %cond3A_13 = arith.cmpi ne, %convert_element_type3A_11, %cond3A_12 : i32
    scf.if %cond3A_13 {
      "tpu.region"() ({
        %run_scoped3A = tpu.sem_alloc : memref<!tpu.dma_semaphore, #tpu.memory_space<semaphore_mem>>
        %dma_start3A = arith.constant 0 : i32
        %dma_start3A_21 = tpu.memref_slice %arg8[%dma_start3A] : memref<51200xi32, #tpu.memory_space<vmem>> -> memref<25600xi32, #tpu.memory_space<vmem>>
        %dma_start3A_22 = arith.constant 0 : i32
        %dma_start3A_23 = tpu.memref_slice %arg8[%dma_start3A_22] : memref<51200xi32, #tpu.memory_space<vmem>> -> memref<25600xi32, #tpu.memory_space<vmem>>
        tpu.enqueue_dma source(%arg4 : memref<25600xi32, #tpu.memory_space<hbm>>) target(%dma_start3A_23 : memref<25600xi32, #tpu.memory_space<vmem>>) target_semaphore(%run_scoped3A : memref<!tpu.dma_semaphore, #tpu.memory_space<semaphore_mem>>)
        %dma_wait3A = arith.constant 0 : i32
        %dma_wait3A_24 = tpu.memref_slice %arg8[%dma_wait3A] : memref<51200xi32, #tpu.memory_space<vmem>> -> memref<25600xi32, #tpu.memory_space<vmem>>
        %dma_wait3A_25 = arith.constant 0 : i32
        %dma_wait3A_26 = tpu.memref_slice %arg8[%dma_wait3A_25] : memref<51200xi32, #tpu.memory_space<vmem>> -> memref<25600xi32, #tpu.memory_space<vmem>>
        tpu.wait_dma2 semaphore(%run_scoped3A : memref<!tpu.dma_semaphore, #tpu.memory_space<semaphore_mem>>) src(%arg4 : memref<25600xi32, #tpu.memory_space<hbm>>) dst(%dma_wait3A_26 : memref<25600xi32, #tpu.memory_space<vmem>>)
        tpu.yield
      }) : () -> ()
      "tpu.region"() ({
        %run_scoped3A = tpu.sem_alloc : memref<!tpu.dma_semaphore, #tpu.memory_space<semaphore_mem>>
        %dma_start3A = arith.constant 25600 : i32
        %dma_start3A_21 = tpu.memref_slice %arg8[%dma_start3A] : memref<51200xi32, #tpu.memory_space<vmem>> -> memref<25600xi32, #tpu.memory_space<vmem>>
        %dma_start3A_22 = arith.constant 25600 : i32
        %dma_start3A_23 = tpu.memref_slice %arg8[%dma_start3A_22] : memref<51200xi32, #tpu.memory_space<vmem>> -> memref<25600xi32, #tpu.memory_space<vmem>>
        tpu.enqueue_dma source(%arg5 : memref<25600xi32, #tpu.memory_space<hbm>>) target(%dma_start3A_23 : memref<25600xi32, #tpu.memory_space<vmem>>) target_semaphore(%run_scoped3A : memref<!tpu.dma_semaphore, #tpu.memory_space<semaphore_mem>>)
        %dma_wait3A = arith.constant 25600 : i32
        %dma_wait3A_24 = tpu.memref_slice %arg8[%dma_wait3A] : memref<51200xi32, #tpu.memory_space<vmem>> -> memref<25600xi32, #tpu.memory_space<vmem>>
        %dma_wait3A_25 = arith.constant 25600 : i32
        %dma_wait3A_26 = tpu.memref_slice %arg8[%dma_wait3A_25] : memref<51200xi32, #tpu.memory_space<vmem>> -> memref<25600xi32, #tpu.memory_space<vmem>>
        tpu.wait_dma2 semaphore(%run_scoped3A : memref<!tpu.dma_semaphore, #tpu.memory_space<semaphore_mem>>) src(%arg5 : memref<25600xi32, #tpu.memory_space<hbm>>) dst(%dma_wait3A_26 : memref<25600xi32, #tpu.memory_space<vmem>>)
        tpu.yield
      }) : () -> ()
      %scan3A_14 = arith.constant 0 : i32
      %scan3A_15 = arith.constant 0 : i32
      %scan3A_16 = arith.constant 400 : i32
      %scan3A_17 = arith.addi %scan3A_15, %scan3A_16 : i32
      %scan3A_18 = arith.constant 1 : i32
      %scan3A_19 = scf.for %scan3A_21 = %scan3A_15 to %scan3A_17 step %scan3A_18 iter_args(%scan3A_22 = %scan3A_14) -> (i32)  : i32 {
        %mul3A_23 = arith.constant 8 : i32
        %mul3A_24 = arith.muli %scan3A_21, %mul3A_23 : i32
        %add3A = arith.constant 0 : i32
        %add3A_25 = arith.addi %mul3A_24, %add3A : i32
        %mul3A_26 = arith.constant 16 : i32
        %mul3A_27 = arith.muli %add3A_25, %mul3A_26 : i32
        %get3A = arith.index_cast %mul3A_27 : i32 to index
        %get3A_28 = tpu.vector_load %arg8[%get3A] {strides = array<i32>} : memref<51200xi32, #tpu.memory_space<vmem>>, vector<16xi32>,
        %ge3A = vector.broadcast %mul3A_0 : i32 to vector<16xi32>
        %ge3A_29 = arith.cmpi sge, %get3A_28, %ge3A : vector<16xi32>
        %add3A_30 = arith.constant 3200 : i32
        %add3A_31 = arith.addi %mul3A_0, %add3A_30 : i32
        %lt3A = vector.broadcast %add3A_31 : i32 to vector<16xi32>
        %lt3A_32 = arith.cmpi slt, %get3A_28, %lt3A : vector<16xi32>
        %and3A = arith.andi %ge3A_29, %lt3A_32 : vector<16xi1>
        %sub3A = vector.broadcast %mul3A_0 : i32 to vector<16xi32>
        %sub3A_33 = arith.subi %get3A_28, %sub3A : vector<16xi32>
        %mul3A_34 = arith.constant 16 : i32
        %mul3A_35 = arith.muli %add3A_25, %mul3A_34 : i32
        %add3A_36 = vector.broadcast %mul3A_35 : i32 to vector<16xi32>
        %add3A_37 = arith.addi %add3A_36, %iota3A : vector<16xi32>
        %mul3A_38 = arith.constant 8 : i32
        %mul3A_39 = arith.muli %scan3A_21, %mul3A_38 : i32
        %add3A_40 = arith.constant 1 : i32
        %add3A_41 = arith.addi %mul3A_39, %add3A_40 : i32
        %mul3A_42 = arith.constant 16 : i32
        %mul3A_43 = arith.muli %add3A_41, %mul3A_42 : i32
        %get3A_44 = arith.index_cast %mul3A_43 : i32 to index
        %get3A_45 = tpu.vector_load %arg8[%get3A_44] {strides = array<i32>} : memref<51200xi32, #tpu.memory_space<vmem>>, vector<16xi32>,
        %ge3A_46 = vector.broadcast %mul3A_0 : i32 to vector<16xi32>
        %ge3A_47 = arith.cmpi sge, %get3A_45, %ge3A_46 : vector<16xi32>
        %add3A_48 = arith.constant 3200 : i32
        %add3A_49 = arith.addi %mul3A_0, %add3A_48 : i32
        %lt3A_50 = vector.broadcast %add3A_49 : i32 to vector<16xi32>
        %lt3A_51 = arith.cmpi slt, %get3A_45, %lt3A_50 : vector<16xi32>
        %and3A_52 = arith.andi %ge3A_47, %lt3A_51 : vector<16xi1>
        %sub3A_53 = vector.broadcast %mul3A_0 : i32 to vector<16xi32>
        %sub3A_54 = arith.subi %get3A_45, %sub3A_53 : vector<16xi32>
        %mul3A_55 = arith.constant 16 : i32
        %mul3A_56 = arith.muli %add3A_41, %mul3A_55 : i32
        %add3A_57 = vector.broadcast %mul3A_56 : i32 to vector<16xi32>
        %add3A_58 = arith.addi %add3A_57, %iota3A : vector<16xi32>
        %mul3A_59 = arith.constant 8 : i32
        %mul3A_60 = arith.muli %scan3A_21, %mul3A_59 : i32
        %add3A_61 = arith.constant 2 : i32
        %add3A_62 = arith.addi %mul3A_60, %add3A_61 : i32
        %mul3A_63 = arith.constant 16 : i32
        %mul3A_64 = arith.muli %add3A_62, %mul3A_63 : i32
        %get3A_65 = arith.index_cast %mul3A_64 : i32 to index
        %get3A_66 = tpu.vector_load %arg8[%get3A_65] {strides = array<i32>} : memref<51200xi32, #tpu.memory_space<vmem>>, vector<16xi32>,
        %ge3A_67 = vector.broadcast %mul3A_0 : i32 to vector<16xi32>
        %ge3A_68 = arith.cmpi sge, %get3A_66, %ge3A_67 : vector<16xi32>
        %add3A_69 = arith.constant 3200 : i32
        %add3A_70 = arith.addi %mul3A_0, %add3A_69 : i32
        %lt3A_71 = vector.broadcast %add3A_70 : i32 to vector<16xi32>
        %lt3A_72 = arith.cmpi slt, %get3A_66, %lt3A_71 : vector<16xi32>
        %and3A_73 = arith.andi %ge3A_68, %lt3A_72 : vector<16xi1>
        %sub3A_74 = vector.broadcast %mul3A_0 : i32 to vector<16xi32>
        %sub3A_75 = arith.subi %get3A_66, %sub3A_74 : vector<16xi32>
        %mul3A_76 = arith.constant 16 : i32
        %mul3A_77 = arith.muli %add3A_62, %mul3A_76 : i32
        %add3A_78 = vector.broadcast %mul3A_77 : i32 to vector<16xi32>
        %add3A_79 = arith.addi %add3A_78, %iota3A : vector<16xi32>
        %mul3A_80 = arith.constant 8 : i32
        %mul3A_81 = arith.muli %scan3A_21, %mul3A_80 : i32
        %add3A_82 = arith.constant 3 : i32
        %add3A_83 = arith.addi %mul3A_81, %add3A_82 : i32
        %mul3A_84 = arith.constant 16 : i32
        %mul3A_85 = arith.muli %add3A_83, %mul3A_84 : i32
        %get3A_86 = arith.index_cast %mul3A_85 : i32 to index
        %get3A_87 = tpu.vector_load %arg8[%get3A_86] {strides = array<i32>} : memref<51200xi32, #tpu.memory_space<vmem>>, vector<16xi32>,
        %ge3A_88 = vector.broadcast %mul3A_0 : i32 to vector<16xi32>
        %ge3A_89 = arith.cmpi sge, %get3A_87, %ge3A_88 : vector<16xi32>
        %add3A_90 = arith.constant 3200 : i32
        %add3A_91 = arith.addi %mul3A_0, %add3A_90 : i32
        %lt3A_92 = vector.broadcast %add3A_91 : i32 to vector<16xi32>
        %lt3A_93 = arith.cmpi slt, %get3A_87, %lt3A_92 : vector<16xi32>
        %and3A_94 = arith.andi %ge3A_89, %lt3A_93 : vector<16xi1>
        %sub3A_95 = vector.broadcast %mul3A_0 : i32 to vector<16xi32>
        %sub3A_96 = arith.subi %get3A_87, %sub3A_95 : vector<16xi32>
        %mul3A_97 = arith.constant 16 : i32
        %mul3A_98 = arith.muli %add3A_83, %mul3A_97 : i32
        %add3A_99 = vector.broadcast %mul3A_98 : i32 to vector<16xi32>
        %add3A_100 = arith.addi %add3A_99, %iota3A : vector<16xi32>
        %mul3A_101 = arith.constant 8 : i32
        %mul3A_102 = arith.muli %scan3A_21, %mul3A_101 : i32
        %add3A_103 = arith.constant 4 : i32
        %add3A_104 = arith.addi %mul3A_102, %add3A_103 : i32
        %mul3A_105 = arith.constant 16 : i32
        %mul3A_106 = arith.muli %add3A_104, %mul3A_105 : i32
        %get3A_107 = arith.index_cast %mul3A_106 : i32 to index
        %get3A_108 = tpu.vector_load %arg8[%get3A_107] {strides = array<i32>} : memref<51200xi32, #tpu.memory_space<vmem>>, vector<16xi32>,
        %ge3A_109 = vector.broadcast %mul3A_0 : i32 to vector<16xi32>
        %ge3A_110 = arith.cmpi sge, %get3A_108, %ge3A_109 : vector<16xi32>
        %add3A_111 = arith.constant 3200 : i32
        %add3A_112 = arith.addi %mul3A_0, %add3A_111 : i32
        %lt3A_113 = vector.broadcast %add3A_112 : i32 to vector<16xi32>
        %lt3A_114 = arith.cmpi slt, %get3A_108, %lt3A_113 : vector<16xi32>
        %and3A_115 = arith.andi %ge3A_110, %lt3A_114 : vector<16xi1>
        %sub3A_116 = vector.broadcast %mul3A_0 : i32 to vector<16xi32>
        %sub3A_117 = arith.subi %get3A_108, %sub3A_116 : vector<16xi32>
        %mul3A_118 = arith.constant 16 : i32
        %mul3A_119 = arith.muli %add3A_104, %mul3A_118 : i32
        %add3A_120 = vector.broadcast %mul3A_119 : i32 to vector<16xi32>
        %add3A_121 = arith.addi %add3A_120, %iota3A : vector<16xi32>
        %mul3A_122 = arith.constant 8 : i32
        %mul3A_123 = arith.muli %scan3A_21, %mul3A_122 : i32
        %add3A_124 = arith.constant 5 : i32
        %add3A_125 = arith.addi %mul3A_123, %add3A_124 : i32
        %mul3A_126 = arith.constant 16 : i32
        %mul3A_127 = arith.muli %add3A_125, %mul3A_126 : i32
        %get3A_128 = arith.index_cast %mul3A_127 : i32 to index
        %get3A_129 = tpu.vector_load %arg8[%get3A_128] {strides = array<i32>} : memref<51200xi32, #tpu.memory_space<vmem>>, vector<16xi32>,
        %ge3A_130 = vector.broadcast %mul3A_0 : i32 to vector<16xi32>
        %ge3A_131 = arith.cmpi sge, %get3A_129, %ge3A_130 : vector<16xi32>
        %add3A_132 = arith.constant 3200 : i32
        %add3A_133 = arith.addi %mul3A_0, %add3A_132 : i32
        %lt3A_134 = vector.broadcast %add3A_133 : i32 to vector<16xi32>
        %lt3A_135 = arith.cmpi slt, %get3A_129, %lt3A_134 : vector<16xi32>
        %and3A_136 = arith.andi %ge3A_131, %lt3A_135 : vector<16xi1>
        %sub3A_137 = vector.broadcast %mul3A_0 : i32 to vector<16xi32>
        %sub3A_138 = arith.subi %get3A_129, %sub3A_137 : vector<16xi32>
        %mul3A_139 = arith.constant 16 : i32
        %mul3A_140 = arith.muli %add3A_125, %mul3A_139 : i32
        %add3A_141 = vector.broadcast %mul3A_140 : i32 to vector<16xi32>
        %add3A_142 = arith.addi %add3A_141, %iota3A : vector<16xi32>
        %mul3A_143 = arith.constant 8 : i32
        %mul3A_144 = arith.muli %scan3A_21, %mul3A_143 : i32
        %add3A_145 = arith.constant 6 : i32
        %add3A_146 = arith.addi %mul3A_144, %add3A_145 : i32
        %mul3A_147 = arith.constant 16 : i32
        %mul3A_148 = arith.muli %add3A_146, %mul3A_147 : i32
        %get3A_149 = arith.index_cast %mul3A_148 : i32 to index
        %get3A_150 = tpu.vector_load %arg8[%get3A_149] {strides = array<i32>} : memref<51200xi32, #tpu.memory_space<vmem>>, vector<16xi32>,
        %ge3A_151 = vector.broadcast %mul3A_0 : i32 to vector<16xi32>
        %ge3A_152 = arith.cmpi sge, %get3A_150, %ge3A_151 : vector<16xi32>
        %add3A_153 = arith.constant 3200 : i32
        %add3A_154 = arith.addi %mul3A_0, %add3A_153 : i32
        %lt3A_155 = vector.broadcast %add3A_154 : i32 to vector<16xi32>
        %lt3A_156 = arith.cmpi slt, %get3A_150, %lt3A_155 : vector<16xi32>
        %and3A_157 = arith.andi %ge3A_152, %lt3A_156 : vector<16xi1>
        %sub3A_158 = vector.broadcast %mul3A_0 : i32 to vector<16xi32>
        %sub3A_159 = arith.subi %get3A_150, %sub3A_158 : vector<16xi32>
        %mul3A_160 = arith.constant 16 : i32
        %mul3A_161 = arith.muli %add3A_146, %mul3A_160 : i32
        %add3A_162 = vector.broadcast %mul3A_161 : i32 to vector<16xi32>
        %add3A_163 = arith.addi %add3A_162, %iota3A : vector<16xi32>
        %mul3A_164 = arith.constant 8 : i32
        %mul3A_165 = arith.muli %scan3A_21, %mul3A_164 : i32
        %add3A_166 = arith.constant 7 : i32
        %add3A_167 = arith.addi %mul3A_165, %add3A_166 : i32
        %mul3A_168 = arith.constant 16 : i32
        %mul3A_169 = arith.muli %add3A_167, %mul3A_168 : i32
        %get3A_170 = arith.index_cast %mul3A_169 : i32 to index
        %get3A_171 = tpu.vector_load %arg8[%get3A_170] {strides = array<i32>} : memref<51200xi32, #tpu.memory_space<vmem>>, vector<16xi32>,
        %ge3A_172 = vector.broadcast %mul3A_0 : i32 to vector<16xi32>
        %ge3A_173 = arith.cmpi sge, %get3A_171, %ge3A_172 : vector<16xi32>
        %add3A_174 = arith.constant 3200 : i32
        %add3A_175 = arith.addi %mul3A_0, %add3A_174 : i32
        %lt3A_176 = vector.broadcast %add3A_175 : i32 to vector<16xi32>
        %lt3A_177 = arith.cmpi slt, %get3A_171, %lt3A_176 : vector<16xi32>
        %and3A_178 = arith.andi %ge3A_173, %lt3A_177 : vector<16xi1>
        %sub3A_179 = vector.broadcast %mul3A_0 : i32 to vector<16xi32>
        %sub3A_180 = arith.subi %get3A_171, %sub3A_179 : vector<16xi32>
        %mul3A_181 = arith.constant 16 : i32
        %mul3A_182 = arith.muli %add3A_167, %mul3A_181 : i32
        %add3A_183 = vector.broadcast %mul3A_182 : i32 to vector<16xi32>
        %add3A_184 = arith.addi %add3A_183, %iota3A : vector<16xi32>
        tpu.vector_store_idx %arg10[%sub3A_33], %add3A_37 masked %and3A : memref<3200xi32, #tpu.memory_space<vmem>>[vector<16xi32>], vector<16xi32>, vector<16xi1>
        tpu.vector_store_idx %arg10[%sub3A_54], %add3A_58 masked %and3A_52 : memref<3200xi32, #tpu.memory_space<vmem>>[vector<16xi32>], vector<16xi32>, vector<16xi1>
        tpu.vector_store_idx %arg10[%sub3A_75], %add3A_79 masked %and3A_73 : memref<3200xi32, #tpu.memory_space<vmem>>[vector<16xi32>], vector<16xi32>, vector<16xi1>
        tpu.vector_store_idx %arg10[%sub3A_96], %add3A_100 masked %and3A_94 : memref<3200xi32, #tpu.memory_space<vmem>>[vector<16xi32>], vector<16xi32>, vector<16xi1>
        tpu.vector_store_idx %arg10[%sub3A_117], %add3A_121 masked %and3A_115 : memref<3200xi32, #tpu.memory_space<vmem>>[vector<16xi32>], vector<16xi32>, vector<16xi1>
        tpu.vector_store_idx %arg10[%sub3A_138], %add3A_142 masked %and3A_136 : memref<3200xi32, #tpu.memory_space<vmem>>[vector<16xi32>], vector<16xi32>, vector<16xi1>
        tpu.vector_store_idx %arg10[%sub3A_159], %add3A_163 masked %and3A_157 : memref<3200xi32, #tpu.memory_space<vmem>>[vector<16xi32>], vector<16xi32>, vector<16xi1>
        tpu.vector_store_idx %arg10[%sub3A_180], %add3A_184 masked %and3A_178 : memref<3200xi32, #tpu.memory_space<vmem>>[vector<16xi32>], vector<16xi32>, vector<16xi1>
        %broadcast_in_dim3A = arith.constant 0 : i32
        %broadcast_in_dim3A_185 = vector.broadcast %broadcast_in_dim3A : i32 to vector<16xi32>
        %gather3A = tpu.vector_load_idx %arg10[%sub3A_33] masked %and3A : memref<3200xi32, #tpu.memory_space<vmem>>[vector<16xi32>], vector<16xi32>, vector<16xi1>
        %lt3A_186 = arith.cmpi slt, %gather3A, %add3A_37 : vector<16xi32>
        %and3A_187 = arith.andi %and3A, %lt3A_186 : vector<16xi1>
        %convert_element_type3A_188 = arith.extui %and3A_187 : vector<16xi1> to vector<16xi32>
        %or3A = arith.ori %broadcast_in_dim3A_185, %convert_element_type3A_188 : vector<16xi32>
        %gather3A_189 = tpu.vector_load_idx %arg10[%sub3A_54] masked %and3A_52 : memref<3200xi32, #tpu.memory_space<vmem>>[vector<16xi32>], vector<16xi32>, vector<16xi1>
        %lt3A_190 = arith.cmpi slt, %gather3A_189, %add3A_58 : vector<16xi32>
        %and3A_191 = arith.andi %and3A_52, %lt3A_190 : vector<16xi1>
        %convert_element_type3A_192 = arith.extui %and3A_191 : vector<16xi1> to vector<16xi32>
        %or3A_193 = arith.ori %or3A, %convert_element_type3A_192 : vector<16xi32>
        %gather3A_194 = tpu.vector_load_idx %arg10[%sub3A_75] masked %and3A_73 : memref<3200xi32, #tpu.memory_space<vmem>>[vector<16xi32>], vector<16xi32>, vector<16xi1>
        %lt3A_195 = arith.cmpi slt, %gather3A_194, %add3A_79 : vector<16xi32>
        %and3A_196 = arith.andi %and3A_73, %lt3A_195 : vector<16xi1>
        %convert_element_type3A_197 = arith.extui %and3A_196 : vector<16xi1> to vector<16xi32>
        %or3A_198 = arith.ori %or3A_193, %convert_element_type3A_197 : vector<16xi32>
        %gather3A_199 = tpu.vector_load_idx %arg10[%sub3A_96] masked %and3A_94 : memref<3200xi32, #tpu.memory_space<vmem>>[vector<16xi32>], vector<16xi32>, vector<16xi1>
        %lt3A_200 = arith.cmpi slt, %gather3A_199, %add3A_100 : vector<16xi32>
        %and3A_201 = arith.andi %and3A_94, %lt3A_200 : vector<16xi1>
        %convert_element_type3A_202 = arith.extui %and3A_201 : vector<16xi1> to vector<16xi32>
        %or3A_203 = arith.ori %or3A_198, %convert_element_type3A_202 : vector<16xi32>
        %gather3A_204 = tpu.vector_load_idx %arg10[%sub3A_117] masked %and3A_115 : memref<3200xi32, #tpu.memory_space<vmem>>[vector<16xi32>], vector<16xi32>, vector<16xi1>
        %lt3A_205 = arith.cmpi slt, %gather3A_204, %add3A_121 : vector<16xi32>
        %and3A_206 = arith.andi %and3A_115, %lt3A_205 : vector<16xi1>
        %convert_element_type3A_207 = arith.extui %and3A_206 : vector<16xi1> to vector<16xi32>
        %or3A_208 = arith.ori %or3A_203, %convert_element_type3A_207 : vector<16xi32>
        %gather3A_209 = tpu.vector_load_idx %arg10[%sub3A_138] masked %and3A_136 : memref<3200xi32, #tpu.memory_space<vmem>>[vector<16xi32>], vector<16xi32>, vector<16xi1>
        %lt3A_210 = arith.cmpi slt, %gather3A_209, %add3A_142 : vector<16xi32>
        %and3A_211 = arith.andi %and3A_136, %lt3A_210 : vector<16xi1>
        %convert_element_type3A_212 = arith.extui %and3A_211 : vector<16xi1> to vector<16xi32>
        %or3A_213 = arith.ori %or3A_208, %convert_element_type3A_212 : vector<16xi32>
        %gather3A_214 = tpu.vector_load_idx %arg10[%sub3A_159] masked %and3A_157 : memref<3200xi32, #tpu.memory_space<vmem>>[vector<16xi32>], vector<16xi32>, vector<16xi1>
        %lt3A_215 = arith.cmpi slt, %gather3A_214, %add3A_163 : vector<16xi32>
        %and3A_216 = arith.andi %and3A_157, %lt3A_215 : vector<16xi1>
        %convert_element_type3A_217 = arith.extui %and3A_216 : vector<16xi1> to vector<16xi32>
        %or3A_218 = arith.ori %or3A_213, %convert_element_type3A_217 : vector<16xi32>
        %gather3A_219 = tpu.vector_load_idx %arg10[%sub3A_180] masked %and3A_178 : memref<3200xi32, #tpu.memory_space<vmem>>[vector<16xi32>], vector<16xi32>, vector<16xi1>
        %lt3A_220 = arith.cmpi slt, %gather3A_219, %add3A_184 : vector<16xi32>
        %and3A_221 = arith.andi %and3A_178, %lt3A_220 : vector<16xi1>
        %convert_element_type3A_222 = arith.extui %and3A_221 : vector<16xi1> to vector<16xi32>
        %or3A_223 = arith.ori %or3A_218, %convert_element_type3A_222 : vector<16xi32>
        %reduce_max3A = arith.constant true
        %reduce_max3A_224 = vector.broadcast %reduce_max3A : i1 to vector<16xi1>
        %reduce_max3A_225 = arith.constant -2147483648 : i32
        %reduce_max3A_226 = vector.broadcast %reduce_max3A_225 : i32 to vector<16xi32>
        %reduce_max3A_227 = arith.xori %or3A_223, %reduce_max3A_226 : vector<16xi32>
        %reduce_max3A_228 = tpu.scan <max>, %reduce_max3A_227 masked %reduce_max3A_224 : vector<16xi32>, vector<16xi1> -> vector<16xi32>
        %reduce_max3A_229 = arith.xori %reduce_max3A_228, %reduce_max3A_226 : vector<16xi32>
        %reduce_max3A_230 = vector.extract %reduce_max3A_229[15] : i32 from vector<16xi32>
        %gt3A = arith.constant 0 : i32
        %gt3A_231 = arith.cmpi sgt, %reduce_max3A_230, %gt3A : i32
        %convert_element_type3A_232 = arith.extui %gt3A_231 : i1 to i32
        %cond3A_233 = arith.constant 0 : i32
        %cond3A_234 = arith.cmpi ne, %convert_element_type3A_232, %cond3A_233 : i32
        scf.if %cond3A_234 {
          %while3A:8 = scf.while (%while3A_236 = %and3A_187, %while3A_237 = %and3A_191, %while3A_238 = %and3A_196, %while3A_239 = %and3A_201, %while3A_240 = %and3A_206, %while3A_241 = %and3A_211, %while3A_242 = %and3A_216, %while3A_243 = %and3A_221) : (vector<16xi1>, vector<16xi1>, vector<16xi1>, vector<16xi1>, vector<16xi1>, vector<16xi1>, vector<16xi1>, vector<16xi1>) -> (vector<16xi1>, vector<16xi1>, vector<16xi1>, vector<16xi1>, vector<16xi1>, vector<16xi1>, vector<16xi1>, vector<16xi1>) {
            %convert_element_type3A_244 = arith.extui %while3A_236 : vector<16xi1> to vector<16xi32>
            %convert_element_type3A_245 = arith.extui %while3A_237 : vector<16xi1> to vector<16xi32>
            %or3A_246 = arith.ori %convert_element_type3A_244, %convert_element_type3A_245 : vector<16xi32>
            %convert_element_type3A_247 = arith.extui %while3A_238 : vector<16xi1> to vector<16xi32>
            %or3A_248 = arith.ori %or3A_246, %convert_element_type3A_247 : vector<16xi32>
            %convert_element_type3A_249 = arith.extui %while3A_239 : vector<16xi1> to vector<16xi32>
            %or3A_250 = arith.ori %or3A_248, %convert_element_type3A_249 : vector<16xi32>
            %convert_element_type3A_251 = arith.extui %while3A_240 : vector<16xi1> to vector<16xi32>
            %or3A_252 = arith.ori %or3A_250, %convert_element_type3A_251 : vector<16xi32>
            %convert_element_type3A_253 = arith.extui %while3A_241 : vector<16xi1> to vector<16xi32>
            %or3A_254 = arith.ori %or3A_252, %convert_element_type3A_253 : vector<16xi32>
            %convert_element_type3A_255 = arith.extui %while3A_242 : vector<16xi1> to vector<16xi32>
            %or3A_256 = arith.ori %or3A_254, %convert_element_type3A_255 : vector<16xi32>
            %convert_element_type3A_257 = arith.extui %while3A_243 : vector<16xi1> to vector<16xi32>
            %or3A_258 = arith.ori %or3A_256, %convert_element_type3A_257 : vector<16xi32>
            %reduce_max3A_259 = arith.constant true
            %reduce_max3A_260 = vector.broadcast %reduce_max3A_259 : i1 to vector<16xi1>
            %reduce_max3A_261 = arith.constant -2147483648 : i32
            %reduce_max3A_262 = vector.broadcast %reduce_max3A_261 : i32 to vector<16xi32>
            %reduce_max3A_263 = arith.xori %or3A_258, %reduce_max3A_262 : vector<16xi32>
            %reduce_max3A_264 = tpu.scan <max>, %reduce_max3A_263 masked %reduce_max3A_260 : vector<16xi32>, vector<16xi1> -> vector<16xi32>
            %reduce_max3A_265 = arith.xori %reduce_max3A_264, %reduce_max3A_262 : vector<16xi32>
            %reduce_max3A_266 = vector.extract %reduce_max3A_265[15] : i32 from vector<16xi32>
            %gt3A_267 = arith.constant 0 : i32
            %gt3A_268 = arith.cmpi sgt, %reduce_max3A_266, %gt3A_267 : i32
            scf.condition(%gt3A_268) %while3A_236, %while3A_237, %while3A_238, %while3A_239, %while3A_240, %while3A_241, %while3A_242, %while3A_243 : vector<16xi1>, vector<16xi1>, vector<16xi1>, vector<16xi1>, vector<16xi1>, vector<16xi1>, vector<16xi1>, vector<16xi1>
          } do {
          ^bb0(%while3A_236: vector<16xi1>, %while3A_237: vector<16xi1>, %while3A_238: vector<16xi1>, %while3A_239: vector<16xi1>, %while3A_240: vector<16xi1>, %while3A_241: vector<16xi1>, %while3A_242: vector<16xi1>, %while3A_243: vector<16xi1>):
            tpu.vector_store_idx %arg10[%sub3A_33], %add3A_37 masked %while3A_236 : memref<3200xi32, #tpu.memory_space<vmem>>[vector<16xi32>], vector<16xi32>, vector<16xi1>
            tpu.vector_store_idx %arg10[%sub3A_54], %add3A_58 masked %while3A_237 : memref<3200xi32, #tpu.memory_space<vmem>>[vector<16xi32>], vector<16xi32>, vector<16xi1>
            tpu.vector_store_idx %arg10[%sub3A_75], %add3A_79 masked %while3A_238 : memref<3200xi32, #tpu.memory_space<vmem>>[vector<16xi32>], vector<16xi32>, vector<16xi1>
            tpu.vector_store_idx %arg10[%sub3A_96], %add3A_100 masked %while3A_239 : memref<3200xi32, #tpu.memory_space<vmem>>[vector<16xi32>], vector<16xi32>, vector<16xi1>
            tpu.vector_store_idx %arg10[%sub3A_117], %add3A_121 masked %while3A_240 : memref<3200xi32, #tpu.memory_space<vmem>>[vector<16xi32>], vector<16xi32>, vector<16xi1>
            tpu.vector_store_idx %arg10[%sub3A_138], %add3A_142 masked %while3A_241 : memref<3200xi32, #tpu.memory_space<vmem>>[vector<16xi32>], vector<16xi32>, vector<16xi1>
            tpu.vector_store_idx %arg10[%sub3A_159], %add3A_163 masked %while3A_242 : memref<3200xi32, #tpu.memory_space<vmem>>[vector<16xi32>], vector<16xi32>, vector<16xi1>
            tpu.vector_store_idx %arg10[%sub3A_180], %add3A_184 masked %while3A_243 : memref<3200xi32, #tpu.memory_space<vmem>>[vector<16xi32>], vector<16xi32>, vector<16xi1>
            %gather3A_244 = tpu.vector_load_idx %arg10[%sub3A_33] masked %while3A_236 : memref<3200xi32, #tpu.memory_space<vmem>>[vector<16xi32>], vector<16xi32>, vector<16xi1>
            %lt3A_245 = arith.cmpi slt, %gather3A_244, %add3A_37 : vector<16xi32>
            %and3A_246 = arith.andi %while3A_236, %lt3A_245 : vector<16xi1>
            %gather3A_247 = tpu.vector_load_idx %arg10[%sub3A_54] masked %while3A_237 : memref<3200xi32, #tpu.memory_space<vmem>>[vector<16xi32>], vector<16xi32>, vector<16xi1>
            %lt3A_248 = arith.cmpi slt, %gather3A_247, %add3A_58 : vector<16xi32>
            %and3A_249 = arith.andi %while3A_237, %lt3A_248 : vector<16xi1>
            %gather3A_250 = tpu.vector_load_idx %arg10[%sub3A_75] masked %while3A_238 : memref<3200xi32, #tpu.memory_space<vmem>>[vector<16xi32>], vector<16xi32>, vector<16xi1>
            %lt3A_251 = arith.cmpi slt, %gather3A_250, %add3A_79 : vector<16xi32>
            %and3A_252 = arith.andi %while3A_238, %lt3A_251 : vector<16xi1>
            %gather3A_253 = tpu.vector_load_idx %arg10[%sub3A_96] masked %while3A_239 : memref<3200xi32, #tpu.memory_space<vmem>>[vector<16xi32>], vector<16xi32>, vector<16xi1>
            %lt3A_254 = arith.cmpi slt, %gather3A_253, %add3A_100 : vector<16xi32>
            %and3A_255 = arith.andi %while3A_239, %lt3A_254 : vector<16xi1>
            %gather3A_256 = tpu.vector_load_idx %arg10[%sub3A_117] masked %while3A_240 : memref<3200xi32, #tpu.memory_space<vmem>>[vector<16xi32>], vector<16xi32>, vector<16xi1>
            %lt3A_257 = arith.cmpi slt, %gather3A_256, %add3A_121 : vector<16xi32>
            %and3A_258 = arith.andi %while3A_240, %lt3A_257 : vector<16xi1>
            %gather3A_259 = tpu.vector_load_idx %arg10[%sub3A_138] masked %while3A_241 : memref<3200xi32, #tpu.memory_space<vmem>>[vector<16xi32>], vector<16xi32>, vector<16xi1>
            %lt3A_260 = arith.cmpi slt, %gather3A_259, %add3A_142 : vector<16xi32>
            %and3A_261 = arith.andi %while3A_241, %lt3A_260 : vector<16xi1>
            %gather3A_262 = tpu.vector_load_idx %arg10[%sub3A_159] masked %while3A_242 : memref<3200xi32, #tpu.memory_space<vmem>>[vector<16xi32>], vector<16xi32>, vector<16xi1>
            %lt3A_263 = arith.cmpi slt, %gather3A_262, %add3A_163 : vector<16xi32>
            %and3A_264 = arith.andi %while3A_242, %lt3A_263 : vector<16xi1>
            %gather3A_265 = tpu.vector_load_idx %arg10[%sub3A_180] masked %while3A_243 : memref<3200xi32, #tpu.memory_space<vmem>>[vector<16xi32>], vector<16xi32>, vector<16xi1>
            %lt3A_266 = arith.cmpi slt, %gather3A_265, %add3A_184 : vector<16xi32>
            %and3A_267 = arith.andi %while3A_243, %lt3A_266 : vector<16xi1>
            scf.yield %and3A_246, %and3A_249, %and3A_252, %and3A_255, %and3A_258, %and3A_261, %and3A_264, %and3A_267 : vector<16xi1>, vector<16xi1>, vector<16xi1>, vector<16xi1>, vector<16xi1>, vector<16xi1>, vector<16xi1>, vector<16xi1>
          }
        } else {
        }
        %scan3A_235 = arith.constant 0 : i32
        scf.yield %scan3A_235 : i32
      }
      %scan3A_20 = arith.constant 400 : i32
      "tpu.region"() ({
        %run_scoped3A = tpu.sem_alloc : memref<!tpu.dma_semaphore, #tpu.memory_space<semaphore_mem>>
        %dma_start3A = tpu.memref_slice %arg7[%mul3A_0] : memref<51200xi32, #tpu.memory_space<hbm>> -> memref<3200xi32, #tpu.memory_space<hbm>>
        %dma_start3A_21 = tpu.memref_slice %arg7[%mul3A_0] : memref<51200xi32, #tpu.memory_space<hbm>> -> memref<3200xi32, #tpu.memory_space<hbm>>
        tpu.enqueue_dma source(%arg10 : memref<3200xi32, #tpu.memory_space<vmem>>) target(%dma_start3A_21 : memref<3200xi32, #tpu.memory_space<hbm>>) target_semaphore(%run_scoped3A : memref<!tpu.dma_semaphore, #tpu.memory_space<semaphore_mem>>)
        %dma_wait3A = tpu.memref_slice %arg7[%mul3A_0] : memref<51200xi32, #tpu.memory_space<hbm>> -> memref<3200xi32, #tpu.memory_space<hbm>>
        %dma_wait3A_22 = tpu.memref_slice %arg7[%mul3A_0] : memref<51200xi32, #tpu.memory_space<hbm>> -> memref<3200xi32, #tpu.memory_space<hbm>>
        tpu.wait_dma2 semaphore(%run_scoped3A : memref<!tpu.dma_semaphore, #tpu.memory_space<semaphore_mem>>) src(%arg10 : memref<3200xi32, #tpu.memory_space<vmem>>) dst(%dma_wait3A_22 : memref<3200xi32, #tpu.memory_space<hbm>>)
        tpu.yield
      }) : () -> ()
    } else {
    }
    return
  }
}

module attributes {stable_mosaic.version = 14 : i64} {
  func.func @_enc_body(%arg0: i32, %arg1: memref<32x1024xf32, #tpu.memory_space<vmem>>, %arg2: memref<32x1024xf32, #tpu.memory_space<vmem>>, %arg3: memref<1x32x128xf32, #tpu.memory_space<vmem>>, %arg4: memref<1x1x128xf32, #tpu.memory_space<vmem>>, %arg5: memref<1x4x128x128xf32, #tpu.memory_space<vmem>>, %arg6: memref<1x4x128xf32, #tpu.memory_space<vmem>>, %arg7: memref<1x128x128xf32, #tpu.memory_space<vmem>>, %arg8: memref<1x1x128xf32, #tpu.memory_space<vmem>>, %arg9: memref<1024x128xf32, #tpu.memory_space<vmem>>) attributes {dimension_semantics = [#tpu.dimension_semantics<arbitrary>], iteration_bounds = array<i64: 51>, scalar_prefetch = 0 : i64, scratch_operands = 0 : i64, tpu.core_type = #tpu.core_type<tc>, window_params = [{transform_indices = @transform_0, window_bounds = array<i64: 32, 1024>}, {transform_indices = @transform_1, window_bounds = array<i64: 32, 1024>}, {transform_indices = @transform_2, window_bounds = array<i64: 1, 32, 128>}, {transform_indices = @transform_3, window_bounds = array<i64: 1, 1, 128>}, {transform_indices = @transform_4, window_bounds = array<i64: 1, 4, 128, 128>}, {transform_indices = @transform_5, window_bounds = array<i64: 1, 4, 128>}, {transform_indices = @transform_6, window_bounds = array<i64: 1, 128, 128>}, {transform_indices = @transform_7, window_bounds = array<i64: 1, 1, 128>}, {transform_indices = @transform_8, window_bounds = array<i64: 1024, 128>}]} {
    %lt3A = arith.constant 25 : i32
    %lt3A_0 = arith.cmpi slt, %arg0, %lt3A : i32
    %get3A = arith.constant 0 : index
    %get3A_1 = arith.constant 0 : index
    %get3A_2 = vector.load %arg1[%get3A, %get3A_1] : memref<32x1024xf32, #tpu.memory_space<vmem>>, vector<32x1024xf32>
    %get3A_3 = arith.constant 0 : index
    %get3A_4 = arith.constant 0 : index
    %get3A_5 = vector.load %arg2[%get3A_3, %get3A_4] : memref<32x1024xf32, #tpu.memory_space<vmem>>, vector<32x1024xf32>
    %select_n3A = arith.select %lt3A_0, %get3A_2, %get3A_5 : vector<32x1024xf32>
    %ne3A = arith.cmpf one, %select_n3A, %select_n3A : vector<32x1024xf32>
    %jit3A = arith.constant 0.000000e+00 : f32
    %broadcast_in_dim3A = vector.broadcast %jit3A : f32 to vector<32x1024xf32>
    %select_n3A_6 = arith.select %ne3A, %broadcast_in_dim3A, %select_n3A : vector<32x1024xi1>, vector<32x1024xf32>
    %eq3A = arith.constant 0x7F800000 : f32
    %eq3A_7 = vector.broadcast %eq3A : f32 to vector<32x1024xf32>
    %eq3A_8 = arith.cmpf oeq, %select_n3A_6, %eq3A_7 : vector<32x1024xf32>
    %jit3A_9 = arith.constant 1.000000e+06 : f32
    %broadcast_in_dim3A_10 = vector.broadcast %jit3A_9 : f32 to vector<32x1024xf32>
    %select_n3A_11 = arith.select %eq3A_8, %broadcast_in_dim3A_10, %select_n3A_6 : vector<32x1024xi1>, vector<32x1024xf32>
    %eq3A_12 = arith.constant 0xFF800000 : f32
    %eq3A_13 = vector.broadcast %eq3A_12 : f32 to vector<32x1024xf32>
    %eq3A_14 = arith.cmpf oeq, %select_n3A_11, %eq3A_13 : vector<32x1024xf32>
    %jit3A_15 = arith.constant -1.000000e+06 : f32
    %broadcast_in_dim3A_16 = vector.broadcast %jit3A_15 : f32 to vector<32x1024xf32>
    %select_n3A_17 = arith.select %eq3A_14, %broadcast_in_dim3A_16, %select_n3A_11 : vector<32x1024xi1>, vector<32x1024xf32>
    %get3A_18 = arith.constant 0 : index
    %get3A_19 = arith.constant 0 : index
    %get3A_20 = arith.constant 0 : index
    %get3A_21 = vector.load %arg3[%get3A_18, %get3A_19, %get3A_20] : memref<1x32x128xf32, #tpu.memory_space<vmem>>, vector<1x32x128xf32>
    %get3A_22 = vector.shape_cast %get3A_21 : vector<1x32x128xf32> to vector<32x128xf32>
    %dot_general3A = arith.constant dense<0.000000e+00> : vector<1024x128xf32>
    %dot_general3A_23 = tpu.matmul %select_n3A_17, %get3A_22, %dot_general3A {dimension_numbers = #tpu.dot_dimension_numbers<[0], [0], [1], [1], [0, 1, 1, 1], [], []>, transpose_lhs_hint = false} : vector<32x1024xf32>, vector<32x128xf32>, vector<1024x128xf32> -> vector<1024x128xf32>
    %get3A_24 = arith.constant 0 : index
    %get3A_25 = arith.constant 0 : index
    %get3A_26 = arith.constant 0 : index
    %get3A_27 = vector.load %arg4[%get3A_24, %get3A_25, %get3A_26] : memref<1x1x128xf32, #tpu.memory_space<vmem>>, vector<1x1x128xf32>
    %get3A_28 = vector.shape_cast %get3A_27 : vector<1x1x128xf32> to vector<128xf32>
    %broadcast_in_dim3A_29 = vector.shape_cast %get3A_28 : vector<128xf32> to vector<1x128xf32>
    %add3A = vector.broadcast %broadcast_in_dim3A_29 : vector<1x128xf32> to vector<1024x128xf32>
    %add3A_30 = arith.addf %dot_general3A_23, %add3A : vector<1024x128xf32>
    %max3A = arith.constant 0.000000e+00 : f32
    %max3A_31 = vector.broadcast %max3A : f32 to vector<1024x128xf32>
    %max3A_32 = arith.maximumf %add3A_30, %max3A_31 : vector<1024x128xf32>
    %get3A_33 = arith.constant 0 : index
    %get3A_34 = arith.constant 0 : index
    %get3A_35 = arith.constant 0 : index
    %get3A_36 = arith.constant 0 : index
    %get3A_37 = vector.load %arg5[%get3A_33, %get3A_34, %get3A_35, %get3A_36] : memref<1x4x128x128xf32, #tpu.memory_space<vmem>>, vector<1x1x128x128xf32>
    %get3A_38 = vector.shape_cast %get3A_37 : vector<1x1x128x128xf32> to vector<128x128xf32>
    %dot_general3A_39 = arith.constant dense<0.000000e+00> : vector<1024x128xf32>
    %dot_general3A_40 = tpu.matmul %max3A_32, %get3A_38, %dot_general3A_39 {dimension_numbers = #tpu.dot_dimension_numbers<[1], [0], [0], [1], [0, 0, 1, 1], [], []>, transpose_lhs_hint = false} : vector<1024x128xf32>, vector<128x128xf32>, vector<1024x128xf32> -> vector<1024x128xf32>
    %get3A_41 = arith.constant 0 : index
    %get3A_42 = arith.constant 0 : index
    %get3A_43 = arith.constant 0 : index
    %get3A_44 = vector.load %arg6[%get3A_41, %get3A_42, %get3A_43] : memref<1x4x128xf32, #tpu.memory_space<vmem>>, vector<1x1x128xf32>
    %get3A_45 = vector.shape_cast %get3A_44 : vector<1x1x128xf32> to vector<128xf32>
    %broadcast_in_dim3A_46 = vector.shape_cast %get3A_45 : vector<128xf32> to vector<1x128xf32>
    %add3A_47 = vector.broadcast %broadcast_in_dim3A_46 : vector<1x128xf32> to vector<1024x128xf32>
    %add3A_48 = arith.addf %dot_general3A_40, %add3A_47 : vector<1024x128xf32>
    %max3A_49 = arith.constant 0.000000e+00 : f32
    %max3A_50 = vector.broadcast %max3A_49 : f32 to vector<1024x128xf32>
    %max3A_51 = arith.maximumf %add3A_48, %max3A_50 : vector<1024x128xf32>
    %add3A_52 = arith.addf %max3A_32, %max3A_51 : vector<1024x128xf32>
    %get3A_53 = arith.constant 0 : index
    %get3A_54 = arith.constant 1 : index
    %get3A_55 = arith.constant 0 : index
    %get3A_56 = arith.constant 0 : index
    %get3A_57 = vector.load %arg5[%get3A_53, %get3A_54, %get3A_55, %get3A_56] : memref<1x4x128x128xf32, #tpu.memory_space<vmem>>, vector<1x1x128x128xf32>
    %get3A_58 = vector.shape_cast %get3A_57 : vector<1x1x128x128xf32> to vector<128x128xf32>
    %dot_general3A_59 = arith.constant dense<0.000000e+00> : vector<1024x128xf32>
    %dot_general3A_60 = tpu.matmul %add3A_52, %get3A_58, %dot_general3A_59 {dimension_numbers = #tpu.dot_dimension_numbers<[1], [0], [0], [1], [0, 0, 1, 1], [], []>, transpose_lhs_hint = false} : vector<1024x128xf32>, vector<128x128xf32>, vector<1024x128xf32> -> vector<1024x128xf32>
    %get3A_61 = arith.constant 0 : index
    %get3A_62 = arith.constant 1 : index
    %get3A_63 = arith.constant 0 : index
    %get3A_64 = vector.load %arg6[%get3A_61, %get3A_62, %get3A_63] : memref<1x4x128xf32, #tpu.memory_space<vmem>>, vector<1x1x128xf32>
    %get3A_65 = vector.shape_cast %get3A_64 : vector<1x1x128xf32> to vector<128xf32>
    %broadcast_in_dim3A_66 = vector.shape_cast %get3A_65 : vector<128xf32> to vector<1x128xf32>
    %add3A_67 = vector.broadcast %broadcast_in_dim3A_66 : vector<1x128xf32> to vector<1024x128xf32>
    %add3A_68 = arith.addf %dot_general3A_60, %add3A_67 : vector<1024x128xf32>
    %max3A_69 = arith.constant 0.000000e+00 : f32
    %max3A_70 = vector.broadcast %max3A_69 : f32 to vector<1024x128xf32>
    %max3A_71 = arith.maximumf %add3A_68, %max3A_70 : vector<1024x128xf32>
    %add3A_72 = arith.addf %add3A_52, %max3A_71 : vector<1024x128xf32>
    %get3A_73 = arith.constant 0 : index
    %get3A_74 = arith.constant 2 : index
    %get3A_75 = arith.constant 0 : index
    %get3A_76 = arith.constant 0 : index
    %get3A_77 = vector.load %arg5[%get3A_73, %get3A_74, %get3A_75, %get3A_76] : memref<1x4x128x128xf32, #tpu.memory_space<vmem>>, vector<1x1x128x128xf32>
    %get3A_78 = vector.shape_cast %get3A_77 : vector<1x1x128x128xf32> to vector<128x128xf32>
    %dot_general3A_79 = arith.constant dense<0.000000e+00> : vector<1024x128xf32>
    %dot_general3A_80 = tpu.matmul %add3A_72, %get3A_78, %dot_general3A_79 {dimension_numbers = #tpu.dot_dimension_numbers<[1], [0], [0], [1], [0, 0, 1, 1], [], []>, transpose_lhs_hint = false} : vector<1024x128xf32>, vector<128x128xf32>, vector<1024x128xf32> -> vector<1024x128xf32>
    %get3A_81 = arith.constant 0 : index
    %get3A_82 = arith.constant 2 : index
    %get3A_83 = arith.constant 0 : index
    %get3A_84 = vector.load %arg6[%get3A_81, %get3A_82, %get3A_83] : memref<1x4x128xf32, #tpu.memory_space<vmem>>, vector<1x1x128xf32>
    %get3A_85 = vector.shape_cast %get3A_84 : vector<1x1x128xf32> to vector<128xf32>
    %broadcast_in_dim3A_86 = vector.shape_cast %get3A_85 : vector<128xf32> to vector<1x128xf32>
    %add3A_87 = vector.broadcast %broadcast_in_dim3A_86 : vector<1x128xf32> to vector<1024x128xf32>
    %add3A_88 = arith.addf %dot_general3A_80, %add3A_87 : vector<1024x128xf32>
    %max3A_89 = arith.constant 0.000000e+00 : f32
    %max3A_90 = vector.broadcast %max3A_89 : f32 to vector<1024x128xf32>
    %max3A_91 = arith.maximumf %add3A_88, %max3A_90 : vector<1024x128xf32>
    %add3A_92 = arith.addf %add3A_72, %max3A_91 : vector<1024x128xf32>
    %get3A_93 = arith.constant 0 : index
    %get3A_94 = arith.constant 3 : index
    %get3A_95 = arith.constant 0 : index
    %get3A_96 = arith.constant 0 : index
    %get3A_97 = vector.load %arg5[%get3A_93, %get3A_94, %get3A_95, %get3A_96] : memref<1x4x128x128xf32, #tpu.memory_space<vmem>>, vector<1x1x128x128xf32>
    %get3A_98 = vector.shape_cast %get3A_97 : vector<1x1x128x128xf32> to vector<128x128xf32>
    %dot_general3A_99 = arith.constant dense<0.000000e+00> : vector<1024x128xf32>
    %dot_general3A_100 = tpu.matmul %add3A_92, %get3A_98, %dot_general3A_99 {dimension_numbers = #tpu.dot_dimension_numbers<[1], [0], [0], [1], [0, 0, 1, 1], [], []>, transpose_lhs_hint = false} : vector<1024x128xf32>, vector<128x128xf32>, vector<1024x128xf32> -> vector<1024x128xf32>
    %get3A_101 = arith.constant 0 : index
    %get3A_102 = arith.constant 3 : index
    %get3A_103 = arith.constant 0 : index
    %get3A_104 = vector.load %arg6[%get3A_101, %get3A_102, %get3A_103] : memref<1x4x128xf32, #tpu.memory_space<vmem>>, vector<1x1x128xf32>
    %get3A_105 = vector.shape_cast %get3A_104 : vector<1x1x128xf32> to vector<128xf32>
    %broadcast_in_dim3A_106 = vector.shape_cast %get3A_105 : vector<128xf32> to vector<1x128xf32>
    %add3A_107 = vector.broadcast %broadcast_in_dim3A_106 : vector<1x128xf32> to vector<1024x128xf32>
    %add3A_108 = arith.addf %dot_general3A_100, %add3A_107 : vector<1024x128xf32>
    %max3A_109 = arith.constant 0.000000e+00 : f32
    %max3A_110 = vector.broadcast %max3A_109 : f32 to vector<1024x128xf32>
    %max3A_111 = arith.maximumf %add3A_108, %max3A_110 : vector<1024x128xf32>
    %add3A_112 = arith.addf %add3A_92, %max3A_111 : vector<1024x128xf32>
    %get3A_113 = arith.constant 0 : index
    %get3A_114 = arith.constant 0 : index
    %get3A_115 = arith.constant 0 : index
    %get3A_116 = vector.load %arg7[%get3A_113, %get3A_114, %get3A_115] : memref<1x128x128xf32, #tpu.memory_space<vmem>>, vector<1x128x128xf32>
    %get3A_117 = vector.shape_cast %get3A_116 : vector<1x128x128xf32> to vector<128x128xf32>
    %dot_general3A_118 = arith.constant dense<0.000000e+00> : vector<1024x128xf32>
    %dot_general3A_119 = tpu.matmul %add3A_112, %get3A_117, %dot_general3A_118 {dimension_numbers = #tpu.dot_dimension_numbers<[1], [0], [0], [1], [0, 0, 1, 1], [], []>, transpose_lhs_hint = false} : vector<1024x128xf32>, vector<128x128xf32>, vector<1024x128xf32> -> vector<1024x128xf32>
    %get3A_120 = arith.constant 0 : index
    %get3A_121 = arith.constant 0 : index
    %get3A_122 = arith.constant 0 : index
    %get3A_123 = vector.load %arg8[%get3A_120, %get3A_121, %get3A_122] : memref<1x1x128xf32, #tpu.memory_space<vmem>>, vector<1x1x128xf32>
    %get3A_124 = vector.shape_cast %get3A_123 : vector<1x1x128xf32> to vector<128xf32>
    %broadcast_in_dim3A_125 = vector.shape_cast %get3A_124 : vector<128xf32> to vector<1x128xf32>
    %add3A_126 = vector.broadcast %broadcast_in_dim3A_125 : vector<1x128xf32> to vector<1024x128xf32>
    %add3A_127 = arith.addf %dot_general3A_119, %add3A_126 : vector<1024x128xf32>
    %ge3A = arith.constant 50 : i32
    %ge3A_128 = arith.cmpi sge, %arg0, %ge3A : i32
    %broadcast_in_dim3A_129 = arith.constant 0.000000e+00 : f32
    %broadcast_in_dim3A_130 = vector.broadcast %broadcast_in_dim3A_129 : f32 to vector<1024x128xf32>
    %select_n3A_131 = arith.select %ge3A_128, %broadcast_in_dim3A_130, %add3A_127 : vector<1024x128xf32>
    %swap3A = arith.constant 0 : index
    %swap3A_132 = arith.constant 0 : index
    %swap3A_133 = vector.load %arg9[%swap3A, %swap3A_132] : memref<1024x128xf32, #tpu.memory_space<vmem>>, vector<1024x128xf32>
    tpu.vector_store %arg9[%swap3A, %swap3A_132], %select_n3A_131 {strides = array<i32>} : memref<1024x128xf32, #tpu.memory_space<vmem>>, vector<1024x128xf32>,
    return
  }
  func.func @transform_0(%arg0: i32) -> (i32, i32) {
    %min3A = arith.constant 24 : i32
    %min3A_0 = arith.minsi %arg0, %min3A : i32
    %c0_i32 = arith.constant 0 : i32
    %c0_i32_1 = arith.constant 0 : i32
    return %c0_i32, %min3A_0 : i32, i32
  }
  func.func @transform_1(%arg0: i32) -> (i32, i32) {
    %sub3A = arith.constant 25 : i32
    %sub3A_0 = arith.subi %arg0, %sub3A : i32
    %jit3A = arith.constant 0 : i32
    %jit3A_1 = arith.constant 24 : i32
    %max3A = arith.maxsi %jit3A, %sub3A_0 : i32
    %min3A = arith.minsi %jit3A_1, %max3A : i32
    %c0_i32 = arith.constant 0 : i32
    %c0_i32_2 = arith.constant 0 : i32
    return %c0_i32, %min3A : i32, i32
  }
  func.func @transform_2(%arg0: i32) -> (i32, i32, i32) {
    %ge3A = arith.constant 25 : i32
    %ge3A_0 = arith.cmpi sge, %arg0, %ge3A : i32
    %convert_element_type3A = arith.extui %ge3A_0 : i1 to i32
    %c0_i32 = arith.constant 0 : i32
    %c0_i32_1 = arith.constant 0 : i32
    %c0_i32_2 = arith.constant 0 : i32
    return %convert_element_type3A, %c0_i32, %c0_i32_1 : i32, i32, i32
  }
  func.func @transform_3(%arg0: i32) -> (i32, i32, i32) {
    %ge3A = arith.constant 25 : i32
    %ge3A_0 = arith.cmpi sge, %arg0, %ge3A : i32
    %convert_element_type3A = arith.extui %ge3A_0 : i1 to i32
    %c0_i32 = arith.constant 0 : i32
    %c0_i32_1 = arith.constant 0 : i32
    %c0_i32_2 = arith.constant 0 : i32
    return %convert_element_type3A, %c0_i32, %c0_i32_1 : i32, i32, i32
  }
  func.func @transform_4(%arg0: i32) -> (i32, i32, i32, i32) {
    %ge3A = arith.constant 25 : i32
    %ge3A_0 = arith.cmpi sge, %arg0, %ge3A : i32
    %convert_element_type3A = arith.extui %ge3A_0 : i1 to i32
    %c0_i32 = arith.constant 0 : i32
    %c0_i32_1 = arith.constant 0 : i32
    %c0_i32_2 = arith.constant 0 : i32
    %c0_i32_3 = arith.constant 0 : i32
    return %convert_element_type3A, %c0_i32, %c0_i32_1, %c0_i32_2 : i32, i32, i32, i32
  }
  func.func @transform_5(%arg0: i32) -> (i32, i32, i32) {
    %ge3A = arith.constant 25 : i32
    %ge3A_0 = arith.cmpi sge, %arg0, %ge3A : i32
    %convert_element_type3A = arith.extui %ge3A_0 : i1 to i32
    %c0_i32 = arith.constant 0 : i32
    %c0_i32_1 = arith.constant 0 : i32
    %c0_i32_2 = arith.constant 0 : i32
    return %convert_element_type3A, %c0_i32, %c0_i32_1 : i32, i32, i32
  }
  func.func @transform_6(%arg0: i32) -> (i32, i32, i32) {
    %ge3A = arith.constant 25 : i32
    %ge3A_0 = arith.cmpi sge, %arg0, %ge3A : i32
    %convert_element_type3A = arith.extui %ge3A_0 : i1 to i32
    %c0_i32 = arith.constant 0 : i32
    %c0_i32_1 = arith.constant 0 : i32
    %c0_i32_2 = arith.constant 0 : i32
    return %convert_element_type3A, %c0_i32, %c0_i32_1 : i32, i32, i32
  }
  func.func @transform_7(%arg0: i32) -> (i32, i32, i32) {
    %ge3A = arith.constant 25 : i32
    %ge3A_0 = arith.cmpi sge, %arg0, %ge3A : i32
    %convert_element_type3A = arith.extui %ge3A_0 : i1 to i32
    %c0_i32 = arith.constant 0 : i32
    %c0_i32_1 = arith.constant 0 : i32
    %c0_i32_2 = arith.constant 0 : i32
    return %convert_element_type3A, %c0_i32, %c0_i32_1 : i32, i32, i32
  }
  func.func @transform_8(%arg0: i32) -> (i32, i32) {
    %c0_i32 = arith.constant 0 : i32
    %c0_i32_0 = arith.constant 0 : i32
    return %arg0, %c0_i32 : i32, i32
  }
}

</mosaic_0001>

<sc_bundles>
// kernel: kernel.5.cloned.1.call-start
scs
__scs_entry_jumppad:
0x0: {  	(pc) =	sbr.rel $0x88, $3  }
0x1: {  	(tag) =	ssettag $0x0;
	lr =	simm.s32 $0x1  }
0x2: {  	[smem:$0x3F95] =	sst lr;
	_ =	strace $0xD0000000  }
0x3: {  	_ = 	snop  }
0x4: {  	_ = 	snop  }
0x5: {  	_ = 	snop  }
0x6: {  	_ = 	snop  }
0x7: {  	_ = 	snop  }
__scs_overlays_trampoline_lowered:
0x8: {  	[smem:$0x3FA4] =	sst s0  }
0x9: {  	[smem:$0x3FA5] =	sst s1  }
0xa: {  	[smem:$0x3FA6] =	sst s2  }
0xb: {  	[smem:$0x3FA7] =	sst s3  }
0xc: {  	[smem:$0x3FA8] =	sst s4  }
0xd: {  	[smem:$0x3FA9] =	sst s5  }
0xe: {  	[smem:$0x3FAA] =	sst s6  }
0xf: {  	[smem:$0x3FAB] =	sst s7  }
0x10: {  	[smem:$0x3FAC] =	sst s8  }
0x11: {  	[smem:$0x3FAD] =	sst s9;
	s0 =	simm.s32 @!p0 $0x0  }
0x12: {  	s1 =	sld [smem:$0x3F93];
	s0 =	simm.s32 @p0 $0x1  }
0x13: {  	[smem:$0x3FAE] =	sst s0;
	s0 =	simm.s32 @!p1 $0x0  }
0x14: {  	s2 =	sld [smem:$0x3F92];
	s0 =	simm.s32 @p1 $0x1  }
0x15: {  	[smem:$0x3FAF] =	sst s0;
	s0 =	simm.s32 @!p2 $0x0  }
0x16: {  	s3 =	sld [smem:$0x3FDB];
	s0 =	simm.s32 @p2 $0x1  }
0x17: {  	s4 =	simm.s32 $0x1BF5;
	[smem:$0x3FB1] =	sst s0  }
0x18: {  	s0 =	sld [smem:$0x3F94];
	_ =	swait.ge [sflag:s4], $0x0  }
0x19: {  	s7 =	sld [smem:$0x3F95]  }
0x1a: {  	s8 =	sadd.s32 $0xFFFFE003, lr  }
0x1b: {  	s9 =	sadd.s32 $0xFFFFFEF7, lr;
	s5 =	simm.s32 $0xFFFFFFFF;
	p2 =	slt.u32 s8, $0xFFFFF086  }
0x1c: {  	p1 =	slt.u32 s9, $0xF7A;
	s5 =	simm.s32 @!p2 $0x0  }
0x1d: {  	s5 =	simm.s32 @p1 $0x1;
	p0 =	seq.s32 s7, s2  }
0x1e: {  	s7 =	smul.u32 @!p0 $0xF7A, s2;
	p2 =	seq.s32 @!p0 s5, $0x0  }
0x1f: {  	s9 =	smul.u32 $0xF7A, s1;
	s8 =	simm.s32 @!p0 $0x1BF5;
	p2 =	por !p2, p0  }
0x20: {  	[sflag:s8] =	ssyncset.s32 @!p0 $0xFFFFF086;
	s6 =	sadd.s32 @!p0 s3, s7;
	s7 =	simm.s32 @!p0 $0x108  }
0x21: {  	s3 =	sadd.s32 s3, s9;
	s6 =	sadd.s32 @!p0 $0x88, s6;
	s7 =	simm.s32 @p2 $0x1082  }
0x22: {  	[simem:s7], [sflag:s8] =	dma.local @!p0 [hbm:s6], $0xF7A  }
0x23: {  	s9 =	sor.u32 $0xD0000000, s2;
	s6 =	simm.s32 $0x108;
	_ =	swait.ge @!p0 [sflag:s8], $0x0  }
0x24: {  	s3 =	sadd.s32 $0x88, s3;
	s6 =	simm.s32 @!p1 $0x1082;
	[sflag:s4] =	ssyncset.s32 $0xFFFFF086  }
0x25: {  	[simem:s6], [sflag:s4] =	dma.local [hbm:s3], $0xF7A  }
0x26: {  	[smem:$0x3F95] =	sst s1;
	(tag) =	ssettag s2;
	_ =	strace s9  }
0x27: {  	s1 =	sld [smem:$0x3FA5]  }
0x28: {  	s2 =	sld [smem:$0x3FA6]  }
0x29: {  	s4 =	sld [smem:$0x3FA8]  }
0x2a: {  	p0 =	seq.s32 s5, $0x0;
	s5 =	sld [smem:$0x3FA9]  }
0x2b: {  	s6 =	sld [smem:$0x3FAA]  }
0x2c: {  	s7 =	sld [smem:$0x3FAB]  }
0x2d: {  	s3 =	simm.s32 $0x108;
	s8 =	sld [smem:$0x3FAC]  }
0x2e: {  	s3 =	simm.s32 @!p0 $0x1082;
	s9 =	sld [smem:$0x3FAD]  }
0x2f: {  	lr =	sadd.s32 s0, s3;
	s0 =	sld [smem:$0x3FA4]  }
0x30: {  	s3 =	sld [smem:$0x3FA7]  }
0x31: {  	[smem:$0x3FB0] =	sst s10  }
0x32: {  	s10 =	sld [smem:$0x3FAE];
	_ =	sdelay $0x3  }
0x33: {  	p0 =	seq.s32 s10, $0x1;
	s10 =	sld [smem:$0x3FB0];
	_ =	sdelay $0x3  }
0x34: {  	[smem:$0x3FB0] =	sst s10  }
0x35: {  	s10 =	sld [smem:$0x3FAF];
	_ =	sdelay $0x3  }
0x36: {  	p1 =	seq.s32 s10, $0x1;
	s10 =	sld [smem:$0x3FB0];
	_ =	sdelay $0x3  }
0x37: {  	[smem:$0x3FB0] =	sst s10  }
0x38: {  	s10 =	sld [smem:$0x3FB1]  }
0x39: {  	_ = 	snop;
	(pc) =	sbr.ind lr, $3  }
0x3a: {  	_ = 	snop  }
0x3b: {  	_ = 	snop  }
0x3c: {  	p2 =	seq.s32 s10, $0x1;
	s10 =	sld [smem:$0x3FB0]  }
0x3d: {  	_ =	shalt  }
0x3e: {  	_ =	shalt  }
0x3f: {  	_ =	shalt  }
0x40: {  	_ =	shalt  }
0x41: {  	_ =	shalt  }
0x42: {  	_ =	shalt  }
0x43: {  	_ =	shalt  }
0x44: {  	_ =	shalt  }
0x45: {  	_ =	shalt  }
0x46: {  	_ =	shalt  }
0x47: {  	_ =	shalt  }
0x48: {  	_ =	shalt  }
0x49: {  	_ =	shalt  }
0x4a: {  	_ =	shalt  }
0x4b: {  	_ =	shalt  }
0x4c: {  	_ =	shalt  }
0x4d: {  	_ =	shalt  }
0x4e: {  	_ =	shalt  }
0x4f: {  	_ =	shalt  }
0x50: {  	_ =	shalt  }
0x51: {  	_ =	shalt  }
0x52: {  	_ =	shalt  }
0x53: {  	_ =	shalt  }
0x54: {  	_ =	shalt  }
0x55: {  	_ =	shalt  }
0x56: {  	_ =	shalt  }
0x57: {  	_ =	shalt  }
0x58: {  	_ =	shalt  }
0x59: {  	_ =	shalt  }
0x5a: {  	_ =	shalt  }
0x5b: {  	_ =	shalt  }
0x5c: {  	_ =	shalt  }
0x5d: {  	_ =	shalt  }
0x5e: {  	_ =	shalt  }
0x5f: {  	_ =	shalt  }
0x60: {  	_ =	shalt  }
0x61: {  	_ =	shalt  }
0x62: {  	_ =	shalt  }
0x63: {  	_ =	shalt  }
0x64: {  	_ =	shalt  }
0x65: {  	_ =	shalt  }
0x66: {  	_ =	shalt  }
0x67: {  	_ =	shalt  }
0x68: {  	_ =	shalt  }
0x69: {  	_ =	shalt  }
0x6a: {  	_ =	shalt  }
0x6b: {  	_ =	shalt  }
0x6c: {  	_ =	shalt  }
0x6d: {  	_ =	shalt  }
0x6e: {  	_ =	shalt  }
0x6f: {  	_ =	shalt  }
0x70: {  	_ =	shalt  }
0x71: {  	_ =	shalt  }
0x72: {  	_ =	shalt  }
0x73: {  	_ =	shalt  }
0x74: {  	_ =	shalt  }
0x75: {  	_ =	shalt  }
0x76: {  	_ =	shalt  }
0x77: {  	_ =	shalt  }
0x78: {  	_ =	shalt  }
0x79: {  	_ =	shalt  }
0x7a: {  	_ =	shalt  }
0x7b: {  	_ =	shalt  }
0x7c: {  	_ =	shalt  }
0x7d: {  	_ =	shalt  }
0x7e: {  	_ =	shalt  }
0x7f: {  	_ =	shalt  }
0x80: {  	_ =	shalt  }
0x81: {  	_ =	shalt  }
0x82: {  	_ =	shalt  }
0x83: {  	_ =	shalt  }
0x84: {  	_ =	shalt  }
0x85: {  	_ =	shalt  }
0x86: {  	_ =	shalt  }
0x87: {  	_ =	shalt  }
.Lfunc_end0:
.L_simem_size_0:
called_computation_lowered:
.L_overlay_start_0:
0x88: {  	s2 =	sld [smem:$0x3FD9]  }
0x89: {  	s3 =	sld [smem:$0x3FFE];
	_ =	sdelay $0x1  }
0x8a: {  	s1 =	srdreg.scid  }
0x8b: {  	s0 =	sand.u32 $0x1, s1  }
0x8c: {  	s17 =	sshll.u32 s0, $0xA;
	s2 =	sadd.s32 s3, s2  }
0x8d: {  	s2 =	sadd.s32 s2, s17  }
0x8e: {  	[smem:$0x3FBC] =	sst s2  }
0x8f: {  	_ = 	snop  }
0x90: {  	s2 =	sld [smem:$0x3FC7]  }
0x91: {  	s18 =	sld [smem:$0x3FC6]  }
0x92: {  	s4 =	sld [smem:$0x3FC5]  }
0x93: {  	s5 =	sld [smem:$0x3FC4];
	(tm) =	ssettm $0x1  }
0x94: {  	s6 =	sld [smem:$0x3FFB];
	_ =	sdelay $0x3  }
0x95: {  	_ =	strace s6  }
0x96: {  	s6 =	sld [smem:$0x3FFC];
	_ =	sdelay $0x3  }
0x97: {  	_ =	strace s6  }
0x98: {  	s6 =	sld [smem:$0x3FFD];
	_ =	sdelay $0x3  }
0x99: {  	_ =	strace s6  }
0x9a: {  	_ =	strace $0x8FFFFFFF  }
0x9b: {  	s19 =	sld [smem:$0x3FDB];
	_ =	sdelay $0x1  }
0x9c: {  	s7 =	simm.s32 $_scs_section_size  }
0x9d: {  	s8 =	simm.s32 $_size__tile_overlayer_lowered;
	s9 =	simm.s32 $_tile_overlayer_lowered  }
0x9e: {  	s22 =	simm.s32 $0x1BFF;
	s21 =	sshll.u32 s9, $0x1;
	s6 =	sadd.s32 s7, s19  }
0x9f: {  	s10 =	simm.s32 $0x0;
	s20 =	sshll.u32 s8, $0x1;
	s8 =	sadd.s32 s21, s6  }
0xa0: {  	[timem:s10], [sflag:s22] =	dma.local [hbm:s8], s20  }
0xa1: {  	_ =	swait.ge [sflag:s22], s20  }
0xa2: {  	s7 =	ssub.s32 $0x0, s20;
	[sflag:s22] =	ssyncset.done $0x0  }
0xa3: {  	[sflag:s22] =	ssyncadd.s32 s7;
	_ =	sdelay $0x1  }
0xa4: {  	s23 =	simm.s32 $0x1B8B  }
0xa5: {  	_ =	swait.ge [sflag:s23], $0x1  }
0xa6: {  	[sflag:s23] =	ssyncset.done $0x0  }
0xa7: {  	s25 =	simm.s32 $0x1B8E;
	s24 =	sld [smem:$0x3FFE];
	[sflag:s23] =	ssyncadd.s32 $0xFFFFFFFF  }
0xa8: {  	s26 =	simm.s32 $execute0_lowered;
	[smem:$0x3FD2] =	sst s25  }
0xa9: {  	s8 =	sshll.u32 s26, $0x1;
	_ =	strace $0x80000046;
	[dreg:$0x1] =	wrdreg $0xFFFFFFFF  }
0xaa: {  	s28 =	simm.s32 $_size_execute0_lowered;
	s6 =	sadd.s32 s6, s8;
	[dreg:$0x0] =	wrdreg $0x0  }
0xab: {  	s8 =	sshll.u32 s28, $0x1;
	[dreg:$0x2] =	wrdreg s6  }
0xac: {  	[dreg:$0x3] =	wrdreg s8  }
0xad: {  	[dreg:$0x4] =	wrdreg $0xC0  }
0xae: {  	_ =	task [dreg:s10], $0x5FFFF  }
0xaf: {  	[dreg:$0x1] =	wrdreg $0xFFFFFFFF  }
0xb0: {  	[dreg:$0x0] =	wrdreg $0x60  }
0xb1: {  	[dreg:$0x2] =	wrdreg s4  }
0xb2: {  	[dreg:$0x3] =	wrdreg s5  }
0xb3: {  	[dreg:$0x4] =	wrdreg s2  }
0xb4: {  	[dreg:$0x5] =	wrdreg s18  }
0xb5: {  	[dreg:$0x6] =	wrdreg s24  }
0xb6: {  	[dreg:$0x7] =	wrdreg $0x9  }
0xb7: {  	_ =	task.clear_ibuf [dreg:s10], $0x8FFFF;
	_ =	strace $0x90000046  }
0xb8: {  	s29 =	simm.s32 $0x9;
	_ =	strace $0x80000048  }
0xb9: {  	_ =	swait.ge [sflag:s29], $0x1  }
0xba: {  	[sflag:s29] =	ssyncadd.s32 $0xFFFFFFFF  }
0xbb: {  	_ =	strace $0x90000048  }
0xbc: {  	_ =	sfence  }
0xbd: {  	s30 =	sld [smem:$0x0];
	_ =	sdelay $0x2  }
0xbe: {  	s31 =	sshll.u32 s1, $0xD;
	s1 =	sshrl.u32 s1, $0x2  }
0xbf: {  	s3 =	sand.u32 $0x4000, s31;
	s1 =	sadd.s32 s1, s30  }
0xc0: {  	s0 =	sor.u32 s3, s0;
	s1 =	sshll.u32 s1, $0x11  }
0xc1: {  	s0 =	sor.u32 s1, s0  }
0xc2: {  	s0 =	sadd.s32 $0x8F2B, s0  }
0xc3: {  	[sflag:s0] =	ssyncadd.remote.s32 $0x1  }
0xc4: {  	_ =	sfence.sel $0xFFFF  }
0xc5: {  	[dreg:$0x0] =	wrdreg $0xFFFFFFFF;
	(pc) =	sbr.abs _section_cstart, $3  }
0xc6: {  	[dreg:$0x1] =	wrdreg $0xFFFFFFFF  }
0xc7: {  	_ =	task.clear_ibuf [dreg:s10], $0x2FFFF;
	_ =	strace $0x9FFFFFFF  }
0xc8: {  	(tm) =	ssettm $0x7FFFFFFF  }
0xc9: {  	_ =	shalt  }
tec
execute0_lowered:
.L_overlay_start_1:
0x0: {  	(tag) =	ssettag $0x1  }
0x1: {  	s1 =	rddreg [dreg:$0x0]  }
0x2: {  	s2 =	rddreg [dreg:$0x1]  }
0x3: {  	s3 =	rddreg [dreg:$0x2]  }
0x4: {  	s4 =	rddreg [dreg:$0x3]  }
0x5: {  	s8 =	rddreg [dreg:$0x4]  }
0x6: {  	s5 =	srdreg.scid;
	s0 =	rddreg [dreg:$0x5]  }
0x7: {  	s6 =	simm.s32 $0x0;
	s13 =	simm.s32 $0x19000;
	s14 =	simm.s32 $0xC800  }
0x8: {  	s15 =	simm.s32 $0x0;
	s9 =	sand.u32 $0x1, s5;
	[smem:$0x7FF] =	sst s6  }
.Ltmp0:
0x9: {  	s5 =	stileid.u32;
	s7 =	sadd.s32 $0x1C00, s8;
	(pc) =	sbr.rel .LBB2_1-.Ltmp0, $4  }
0xa: {  	s8 =	sadd.s32 $0x3600, s8;
	s10 =	ssub.s32 $0x2, s9;
	s12 =	smul.u32 $0xC80, s5  }
0xb: {  	_ =	strace $0x80000047;
	p0 =	seq.s32 s9, $0x1;
	s11 =	sshrl.u32 s10, $0x1  }
0xc: {  	v2 =	vimm.s32 $0xFFFFFFFF;
	v3 =	vlaneseq.u32;
	s10 =	ssub.s32 s10, s11;
	s31 =	sadd.s32 $0xC80, s12;
	s9 =	sshrl.u32 s12, $0x3  }
0xd: {  	v4 =	vimm.s32 $0x0;
	v0 =	vmov s12;
	s11 =	simm.s32 $0x1;
	s12 =	simm.s32 $0x6400;
	v1 =	vmov s31;
	s10 =	smax.u32 s10, $0x1  }
.LBB2_13:
0xe: {  	s16 =	smov.u32 s8  }
.LBB2_14:
0xf: {  	s15 =	sadd.s32 $0x1, s15  }
0x10: {  	p1 =	sne.s32 s15, s10  }
.Ltmp1:
0x11: {  	s16 =	sadd.s32 s16, s9;
	(pc) =	sbr.rel @!p1 .LBB2_15-.Ltmp1, $4  }
0x12: {  	[hbm4b:s16+s6] =	stream.linear.scatter [tilespmem:s13], [sflag:$0x1], $0xC80, $0x38;
	[tilespmem:$0x19C80] =	vst v63  }
0x13: {  	_ =	swait.ge [sflag:s11], $0xC80  }
0x14: {  	[sflag:s11] =	ssyncset.done $0x0  }
0x15: {  	[sflag:s11] =	ssyncadd.s32 $0xFFFFF380  }
.LBB2_1:
0x16: {  	s16 =	simm.s32 $0x19020  }
0x17: {  	[tilespmem:s16+$0xFFFFFFE0] =	vst v2  }
0x18: {  	[tilespmem:s16+$0x10] =	vst v2  }
0x19: {  	s17 =	simm.s32 $0x0;
	[tilespmem:s16+$0x0] =	vst v2  }
.LBB2_2:
0x1a: {  	s17 =	sadd.s32 $0x4, s17  }
0x1b: {  	[tilespmem:s16+$0xFFFFFFF0] =	vst v2;
	s16 =	sadd.s32 $0x40, s16;
	p1 =	slt.u32 s17, $0xC4  }
.Ltmp2:
0x1c: {  	[tilespmem:s16+$0xFFFFFFE0] =	vst v2;
	(pc) =	sbr.rel @p1 .LBB2_2-.Ltmp2, $3  }
0x1d: {  	_ =	sdelay $0x1  }
0x1e: {  	[tilespmem:s16+$0x10] =	vst v2  }
0x1f: {  	[tilespmem:s16+$0x0] =	vst v2  }
.Ltmp3:
0x20: {  	(pc) =	sbr.rel @!p0 .LBB2_4-.Ltmp3, $2  }
0x21: {  	_ =	sdelay $0x2  }
0x22: {  	[tilespmem:s16+$0xFFFFFFF0] =	vst v2;
	s16 =	simm.s32 $0x0  }
0x23: {  	[tilespmem:s16], [sflag:$0x1] =	stream.linear.gather [hbm4b:s3+s16], $0x6400, $0x38;
	[tilespmem:$0x19C80] =	vst v63  }
0x24: {  	_ =	swait.ge [sflag:s11], $0x6400  }
0x25: {  	[sflag:s11] =	ssyncset.done $0x0  }
.Ltmp4:
0x26: {  	[sflag:s11] =	ssyncadd.s32 $0xFFFF9C00;
	(pc) =	sbr.rel .LBB2_10-.Ltmp4, $4  }
0x27: {  	[tilespmem:s12], [sflag:$0x1] =	stream.linear.gather [hbm4b:s4+s16], $0x6400, $0x38;
	[tilespmem:$0x19C80] =	vst v63  }
0x28: {  	_ =	swait.ge [sflag:s11], $0x6400  }
0x29: {  	[sflag:s11] =	ssyncset.done $0x0  }
0x2a: {  	[sflag:s11] =	ssyncadd.s32 $0xFFFF9C00  }
.LBB2_12:
0x2b: {  	s16 =	sadd.s32 $0x1, s16  }
0x2c: {  	p1 =	sne.s32 s16, $0x190  }
.Ltmp5:
0x2d: {  	_ = 	snop;
	(pc) =	sbr.rel @!p1 .LBB2_13-.Ltmp5, $1  }
0x2e: {  	_ =	sdelay $0x3  }
.LBB2_10:
0x2f: {  	s17 =	sshll.u32 s16, $0x7  }
0x30: {  	s18 =	sand.u32 $0x3FFFFF80, s17  }
0x31: {  	v8 =	vld [tilespmem:s18+$0x0]  }
0x32: {  	v9 =	vld [tilespmem:s18+$0x10]  }
0x33: {  	v10 =	vld [tilespmem:s18+$0x20]  }
0x34: {  	v11 =	vld [tilespmem:s18+$0x30]  }
0x35: {  	v13 =	vld [tilespmem:s18+$0x40]  }
0x36: {  	v14 =	vld [tilespmem:s18+$0x50]  }
0x37: {  	v5 =	vor.u32 s17, v3;
	s19 =	sor.u32 $0x10, s17;
	s25 =	sor.u32 $0x20, s17;
	v16 =	vld [tilespmem:s18+$0x60]  }
0x38: {  	v6 =	vor.u32 s19, v3;
	v7 =	vor.u32 s25, v3;
	v18 =	vld [tilespmem:s18+$0x70];
	vm0 =	vge.s32 v8, v0  }
0x39: {  	vm1 =	vlt.s32 v8, v1;
	v12 =	vsub.s32 v8, v0;
	vm2 =	vlt.s32 v9, v1  }
0x3a: {  	vm3 =	vlt.s32 v10, v1;
	v15 =	vsub.s32 v9, v0;
	v17 =	vsub.s32 v10, v0  }
0x3b: {  	vm4 =	vlt.s32 v11, v1;
	vm5 =	vge.s32 v13, v0;
	vm6 =	vlt.s32 v13, v1  }
0x3c: {  	v19 =	vsub.s32 v11, v0;
	v20 =	vsub.s32 v13, v0;
	v21 =	vsub.s32 v14, v0  }
0x3d: {  	vm7 =	vlt.s32 v16, v1;
	vm8 =	vge.s32 v18, v0;
	vm9 =	vlt.s32 v18, v1  }
0x3e: {  	v22 =	vsub.s32 v16, v0;
	v23 =	vsub.s32 v18, v0;
	v8 =	vand.u32 $0x7F, v8  }
0x3f: {  	v13 =	vand.u32 $0x7F, v13;
	vm0 =	vmand vm0, vm1;
	vm1 =	vge.s32 v9, v0  }
0x40: {  	v12 =	vand.u32 $0xFFFFFF80, v12;
	v9 =	vand.u32 $0x7F, v9;
	vm1 =	vmand vm1, vm2  }
0x41: {  	vm2 =	vge.s32 v10, v0;
	v8 =	vor.u32 v8, v12;
	v12 =	vand.u32 $0xFFFFFF80, v15  }
0x42: {  	v10 =	vand.u32 $0x7F, v10;
	v15 =	vand.u32 $0x7F, v16;
	vm2 =	vmand vm2, vm3  }
0x43: {  	vm3 =	vge.s32 v11, v0;
	v9 =	vor.u32 v9, v12;
	v12 =	vand.u32 $0xFFFFFF80, v17  }
0x44: {  	v11 =	vand.u32 $0x7F, v11;
	v17 =	vand.u32 $0x7F, v18;
	vm4 =	vmand vm3, vm4  }
0x45: {  	vm3 =	vmand vm5, vm6;
	vm5 =	vge.s32 v14, v0;
	vm6 =	vlt.s32 v14, v1  }
0x46: {  	v10 =	vor.u32 v10, v12;
	v12 =	vand.u32 $0xFFFFFF80, v19;
	v14 =	vand.u32 $0x7F, v14  }
0x47: {  	vm5 =	vmand vm5, vm6;
	v11 =	vor.u32 v11, v12;
	v12 =	vand.u32 $0xFFFFFF80, v20  }
0x48: {  	vm6 =	vge.s32 v16, v0;
	v12 =	vor.u32 v13, v12;
	v13 =	vand.u32 $0xFFFFFF80, v21  }
0x49: {  	vm7 =	vmand vm6, vm7;
	[tilespmem:v8+s13+$0x0] =	vst.idx.msk vm0, v5;
	v13 =	vor.u32 v14, v13;
	v14 =	vand.u32 $0xFFFFFF80, v22  }
0x4a: {  	s26 =	sor.u32 $0x30, s17;
	v16 =	vand.u32 $0xFFFFFF80, v23;
	vm6 =	vmand vm8, vm9;
	[tilespmem:v9+s13+$0x0] =	vst.idx.msk vm1, v6;
	v14 =	vor.u32 v15, v14  }
0x4b: {  	s28 =	sor.u32 $0x40, s17;
	v16 =	vor.u32 v17, v16;
	v15 =	vor.u32 s26, v3;
	[tilespmem:v10+s13+$0x0] =	vst.idx.msk vm2, v7  }
0x4c: {  	s29 =	sor.u32 $0x50, s17;
	v17 =	vor.u32 s28, v3;
	[tilespmem:v11+s13+$0x0] =	vst.idx.msk vm4, v15  }
0x4d: {  	s30 =	sor.u32 $0x60, s17;
	v18 =	vor.u32 s29, v3;
	[tilespmem:v12+s13+$0x0] =	vst.idx.msk vm3, v17  }
0x4e: {  	s17 =	sor.u32 $0x70, s17;
	v19 =	vor.u32 s30, v3;
	[tilespmem:v13+s13+$0x0] =	vst.idx.msk vm5, v18  }
0x4f: {  	v20 =	vor.u32 s17, v3;
	[tilespmem:v14+s13+$0x0] =	vst.idx.msk vm7, v19  }
0x50: {  	[tilespmem:v16+s13+$0x0] =	vst.idx.msk vm6, v20  }
0x51: {  	v21 =	vld.idx.msk [tilespmem:v8+s13+$0x0], vm0  }
0x52: {  	v22 =	vld.idx.msk [tilespmem:v9+s13+$0x0], vm1  }
0x53: {  	v23 =	vld.idx.msk [tilespmem:v10+s13+$0x0], vm2  }
0x54: {  	v24 =	vld.idx.msk [tilespmem:v11+s13+$0x0], vm4  }
0x55: {  	v25 =	vld.idx.msk [tilespmem:v12+s13+$0x0], vm3  }
0x56: {  	v26 =	vld.idx.msk [tilespmem:v13+s13+$0x0], vm5  }
0x57: {  	vm8 =	vlt.s32 v21, v5;
	vm15 =	vlt.s32 v22, v6;
	v21 =	vld.idx.msk [tilespmem:v14+s13+$0x0], vm7  }
0x58: {  	v22 =	vld.idx.msk [tilespmem:v16+s13+$0x0], vm6;
	vm0 =	vmand vm0, vm8;
	vm1 =	vmand vm1, vm15;
	vm8 =	vlt.s32 v23, v7  }
0x59: {  	vm9 =	vmor vm0, vm1;
	vm2 =	vmand vm2, vm8;
	vm8 =	vlt.s32 v24, v15  }
0x5a: {  	vm9 =	vmor vm9, vm2;
	vm4 =	vmand vm4, vm8;
	vm8 =	vlt.s32 v25, v17  }
0x5b: {  	vm9 =	vmor vm9, vm4;
	vm3 =	vmand vm3, vm8;
	vm8 =	vlt.s32 v26, v18  }
0x5c: {  	vm9 =	vmor vm9, vm3;
	vm5 =	vmand vm5, vm8;
	vm8 =	vlt.s32 v21, v19  }
0x5d: {  	vm9 =	vmor vm9, vm5;
	vm7 =	vmand vm7, vm8;
	vm8 =	vlt.s32 v22, v20  }
0x5e: {  	vm9 =	vmor vm9, vm7;
	vm6 =	vmand vm6, vm8  }
0x5f: {  	vm8 =	vmor vm9, vm6  }
0x60: {  	v21 =	vsel vm8, $0x1, v4  }
0x61: {  	v21 =	vor.u32 $0x80000000, v21  }
0x62: {  	(xrf0) =	vmax.scan.msk.u32 $0xffff, v21;
	_ =	sdelay $0x5  }
0x63: {  	v21, _, _ =	vpop (xrf0)  }
0x64: {  	(v2sf) =	vpush v21, $0xF;
	_ =	sdelay $0xe  }
0x65: {  	s31 =	spop (v2sf)  }
0x66: {  	p1 =	slt.u32 s31, $0x80000001  }
.Ltmp6:
0x67: {  	_ = 	snop;
	(pc) =	sbr.rel @p1 .LBB2_12-.Ltmp6, $1  }
0x68: {  	_ =	sdelay $0x3  }
.LBB2_11:
0x69: {  	[tilespmem:v8+s13+$0x0] =	vst.idx.msk vm0, v5  }
0x6a: {  	[tilespmem:v9+s13+$0x0] =	vst.idx.msk vm1, v6  }
0x6b: {  	[tilespmem:v10+s13+$0x0] =	vst.idx.msk vm2, v7  }
0x6c: {  	[tilespmem:v11+s13+$0x0] =	vst.idx.msk vm4, v15  }
0x6d: {  	[tilespmem:v12+s13+$0x0] =	vst.idx.msk vm3, v17  }
0x6e: {  	[tilespmem:v13+s13+$0x0] =	vst.idx.msk vm5, v18  }
0x6f: {  	[tilespmem:v14+s13+$0x0] =	vst.idx.msk vm7, v19  }
0x70: {  	[tilespmem:v16+s13+$0x0] =	vst.idx.msk vm6, v20  }
0x71: {  	v21 =	vld.idx.msk [tilespmem:v8+s13+$0x0], vm0  }
0x72: {  	v22 =	vld.idx.msk [tilespmem:v9+s13+$0x0], vm1  }
0x73: {  	v23 =	vld.idx.msk [tilespmem:v10+s13+$0x0], vm2  }
0x74: {  	v24 =	vld.idx.msk [tilespmem:v11+s13+$0x0], vm4  }
0x75: {  	v25 =	vld.idx.msk [tilespmem:v12+s13+$0x0], vm3  }
0x76: {  	v26 =	vld.idx.msk [tilespmem:v13+s13+$0x0], vm5  }
0x77: {  	vm8 =	vlt.s32 v21, v5;
	vm9 =	vlt.s32 v22, v6;
	v21 =	vld.idx.msk [tilespmem:v14+s13+$0x0], vm7  }
0x78: {  	v22 =	vld.idx.msk [tilespmem:v16+s13+$0x0], vm6;
	vm0 =	vmand vm0, vm8;
	vm1 =	vmand vm1, vm9;
	vm8 =	vlt.s32 v23, v7  }
0x79: {  	vm15 =	vlt.s32 v24, v15;
	vm2 =	vmand vm2, vm8;
	vm8 =	vmor vm0, vm1  }
0x7a: {  	vm12 =	vlt.s32 v25, v17;
	vm4 =	vmand vm4, vm15;
	vm8 =	vmor vm8, vm2  }
0x7b: {  	vm13 =	vlt.s32 v26, v18;
	vm3 =	vmand vm3, vm12;
	vm8 =	vmor vm8, vm4  }
0x7c: {  	vm5 =	vmand vm5, vm13;
	vm14 =	vlt.s32 v21, v19;
	vm8 =	vmor vm8, vm3  }
0x7d: {  	vm15 =	vlt.s32 v22, v20;
	vm7 =	vmand vm7, vm14;
	vm8 =	vmor vm8, vm5  }
0x7e: {  	vm6 =	vmand vm6, vm15;
	vm8 =	vmor vm8, vm7  }
0x7f: {  	vm8 =	vmor vm8, vm6  }
0x80: {  	v21 =	vsel vm8, $0x1, v4  }
0x81: {  	v21 =	vor.u32 $0x80000000, v21  }
0x82: {  	(xrf0) =	vmax.scan.msk.u32 $0xffff, v21;
	_ =	sdelay $0x5  }
0x83: {  	v21, _, _ =	vpop (xrf0)  }
0x84: {  	(v2sf) =	vpush v21, $0xF;
	_ =	sdelay $0xe  }
0x85: {  	s17 =	spop (v2sf)  }
0x86: {  	p1 =	sgt.u32 s17, $0x80000000  }
.Ltmp7:
0x87: {  	_ = 	snop;
	(pc) =	sbr.rel @p1 .LBB2_11-.Ltmp7, $1  }
0x88: {  	_ =	sdelay $0x3  }
.Ltmp8:
0x89: {  	_ = 	snop;
	(pc) =	sbr.rel .LBB2_12-.Ltmp8, $1  }
0x8a: {  	_ =	sdelay $0x3  }
.LBB2_4:
0x8b: {  	[tilespmem:s16], [sflag:$0x1] =	stream.linear.gather [hbm4b:s1+s16], $0xC800, $0x38;
	[tilespmem:$0x19C80] =	vst v63  }
0x8c: {  	_ =	swait.ge [sflag:s11], $0xC800  }
0x8d: {  	[sflag:s11] =	ssyncset.done $0x0  }
.Ltmp9:
0x8e: {  	[sflag:s11] =	ssyncadd.s32 $0xFFFF3800;
	(pc) =	sbr.rel .LBB2_5-.Ltmp9, $4  }
0x8f: {  	[tilespmem:s14], [sflag:$0x1] =	stream.linear.gather [hbm4b:s2+s16], $0xC800, $0x38;
	[tilespmem:$0x19C80] =	vst v63  }
0x90: {  	_ =	swait.ge [sflag:s11], $0xC800  }
0x91: {  	[sflag:s11] =	ssyncset.done $0x0  }
0x92: {  	[sflag:s11] =	ssyncadd.s32 $0xFFFF3800  }
.LBB2_7:
0x93: {  	s16 =	sadd.s32 $0x1, s16  }
0x94: {  	p1 =	seq.s32 s16, $0x190  }
.Ltmp10:
0x95: {  	_ = 	snop;
	(pc) =	sbr.rel @p1 .LBB2_8-.Ltmp10, $1  }
0x96: {  	_ =	sdelay $0x3  }
.LBB2_5:
0x97: {  	s17 =	sshll.u32 s16, $0x7  }
0x98: {  	v5 =	vld [tilespmem:s17+$0xC800]  }
0x99: {  	v8 =	vld [tilespmem:s17+$0x0]  }
0x9a: {  	v6 =	vld [tilespmem:s17+$0xC810]  }
0x9b: {  	v9 =	vld [tilespmem:s17+$0x10]  }
0x9c: {  	v7 =	vld [tilespmem:s17+$0xC820]  }
0x9d: {  	v10 =	vld [tilespmem:s17+$0x20]  }
0x9e: {  	v11 =	vld [tilespmem:s17+$0xC830]  }
0x9f: {  	v12 =	vld [tilespmem:s17+$0x30]  }
0xa0: {  	v14 =	vld [tilespmem:s17+$0xC840]  }
0xa1: {  	v15 =	vld [tilespmem:s17+$0x40]  }
0xa2: {  	v16 =	vld [tilespmem:s17+$0xC850]  }
0xa3: {  	v19 =	vld [tilespmem:s17+$0xC860]  }
0xa4: {  	v22 =	vld [tilespmem:s17+$0xC870]  }
0xa5: {  	v18 =	vld [tilespmem:s17+$0x50]  }
0xa6: {  	v21 =	vld [tilespmem:s17+$0x60]  }
0xa7: {  	v23 =	vld [tilespmem:s17+$0x70];
	v5 =	vshll.u32 v5, $0xA;
	v6 =	vshll.u32 v6, $0xA  }
0xa8: {  	v7 =	vshll.u32 v7, $0xA;
	v11 =	vshll.u32 v11, $0xA;
	v14 =	vshll.u32 v14, $0xA  }
0xa9: {  	v16 =	vshll.u32 v16, $0xA;
	v19 =	vshll.u32 v19, $0xA;
	v22 =	vshll.u32 v22, $0xA  }
0xaa: {  	v5 =	vadd.s32 v8, v5;
	v6 =	vadd.s32 v9, v6;
	v7 =	vadd.s32 v10, v7  }
0xab: {  	v11 =	vadd.s32 v12, v11;
	v14 =	vadd.s32 v15, v14;
	v16 =	vadd.s32 v18, v16  }
0xac: {  	v19 =	vadd.s32 v21, v19;
	v22 =	vadd.s32 v23, v22;
	v8 =	vand.u32 $0x7F, v8  }
0xad: {  	v9 =	vand.u32 $0x7F, v9;
	v10 =	vand.u32 $0x7F, v10;
	v12 =	vand.u32 $0x7F, v12  }
0xae: {  	vm0 =	vge.s32 v5, v0;
	vm1 =	vlt.s32 v5, v1;
	v13 =	vsub.s32 v5, v0  }
0xaf: {  	vm2 =	vlt.s32 v6, v1;
	v5 =	vor.u32 s17, v3;
	v17 =	vsub.s32 v6, v0  }
0xb0: {  	vm3 =	vlt.s32 v7, v1;
	v20 =	vsub.s32 v7, v0;
	vm4 =	vlt.s32 v11, v1  }
0xb1: {  	vm5 =	vlt.s32 v14, v1;
	vm6 =	vlt.s32 v16, v1;
	vm7 =	vlt.s32 v19, v1  }
0xb2: {  	s18 =	sor.u32 $0x10, s17;
	vm8 =	vge.s32 v22, v0;
	vm9 =	vlt.s32 v22, v1;
	v22 =	vsub.s32 v22, v0  }
0xb3: {  	vm0 =	vmand vm0, vm1;
	vm1 =	vge.s32 v6, v0;
	v6 =	vor.u32 s18, v3  }
0xb4: {  	s25 =	sor.u32 $0x20, s17;
	v13 =	vand.u32 $0xFFFFFF80, v13;
	vm1 =	vmand vm1, vm2;
	vm2 =	vge.s32 v7, v0  }
0xb5: {  	v7 =	vor.u32 s25, v3;
	v8 =	vor.u32 v8, v13;
	v13 =	vand.u32 $0xFFFFFF80, v17  }
0xb6: {  	v17 =	vand.u32 $0x7F, v23;
	vm2 =	vmand vm2, vm3;
	vm3 =	vge.s32 v11, v0  }
0xb7: {  	v11 =	vsub.s32 v11, v0;
	v9 =	vor.u32 v9, v13;
	v13 =	vand.u32 $0xFFFFFF80, v20  }
0xb8: {  	vm3 =	vmand vm3, vm4;
	vm4 =	vge.s32 v14, v0;
	v14 =	vsub.s32 v14, v0  }
0xb9: {  	v10 =	vor.u32 v10, v13;
	v11 =	vand.u32 $0xFFFFFF80, v11;
	v13 =	vand.u32 $0x7F, v15  }
0xba: {  	v15 =	vand.u32 $0x7F, v21;
	vm4 =	vmand vm4, vm5;
	vm5 =	vge.s32 v16, v0  }
0xbb: {  	v16 =	vsub.s32 v16, v0;
	v11 =	vor.u32 v12, v11;
	v12 =	vand.u32 $0xFFFFFF80, v14  }
0xbc: {  	v14 =	vand.u32 $0x7F, v18;
	vm5 =	vmand vm5, vm6;
	vm6 =	vge.s32 v19, v0  }
0xbd: {  	v19 =	vsub.s32 v19, v0;
	v12 =	vor.u32 v13, v12;
	v13 =	vand.u32 $0xFFFFFF80, v16  }
0xbe: {  	vm7 =	vmand vm6, vm7;
	[tilespmem:v8+s13+$0x0] =	vst.idx.msk vm0, v5;
	v13 =	vor.u32 v14, v13;
	v14 =	vand.u32 $0xFFFFFF80, v19  }
0xbf: {  	s26 =	sor.u32 $0x30, s17;
	v16 =	vand.u32 $0xFFFFFF80, v22;
	vm6 =	vmand vm8, vm9;
	[tilespmem:v9+s13+$0x0] =	vst.idx.msk vm1, v6;
	v14 =	vor.u32 v15, v14  }
0xc0: {  	s28 =	sor.u32 $0x40, s17;
	v16 =	vor.u32 v17, v16;
	v15 =	vor.u32 s26, v3;
	[tilespmem:v10+s13+$0x0] =	vst.idx.msk vm2, v7  }
0xc1: {  	s29 =	sor.u32 $0x50, s17;
	v17 =	vor.u32 s28, v3;
	[tilespmem:v11+s13+$0x0] =	vst.idx.msk vm3, v15  }
0xc2: {  	s30 =	sor.u32 $0x60, s17;
	v18 =	vor.u32 s29, v3;
	[tilespmem:v12+s13+$0x0] =	vst.idx.msk vm4, v17  }
0xc3: {  	s17 =	sor.u32 $0x70, s17;
	v19 =	vor.u32 s30, v3;
	[tilespmem:v13+s13+$0x0] =	vst.idx.msk vm5, v18  }
0xc4: {  	v20 =	vor.u32 s17, v3;
	[tilespmem:v14+s13+$0x0] =	vst.idx.msk vm7, v19  }
0xc5: {  	[tilespmem:v16+s13+$0x0] =	vst.idx.msk vm6, v20  }
0xc6: {  	v21 =	vld.idx.msk [tilespmem:v8+s13+$0x0], vm0  }
0xc7: {  	v22 =	vld.idx.msk [tilespmem:v9+s13+$0x0], vm1  }
0xc8: {  	v23 =	vld.idx.msk [tilespmem:v10+s13+$0x0], vm2  }
0xc9: {  	v24 =	vld.idx.msk [tilespmem:v11+s13+$0x0], vm3  }
0xca: {  	v25 =	vld.idx.msk [tilespmem:v12+s13+$0x0], vm4  }
0xcb: {  	v26 =	vld.idx.msk [tilespmem:v13+s13+$0x0], vm5  }
0xcc: {  	vm8 =	vlt.s32 v21, v5;
	vm15 =	vlt.s32 v22, v6;
	v21 =	vld.idx.msk [tilespmem:v14+s13+$0x0], vm7  }
0xcd: {  	v22 =	vld.idx.msk [tilespmem:v16+s13+$0x0], vm6;
	vm0 =	vmand vm0, vm8;
	vm1 =	vmand vm1, vm15;
	vm8 =	vlt.s32 v23, v7  }
0xce: {  	vm9 =	vmor vm0, vm1;
	vm2 =	vmand vm2, vm8;
	vm8 =	vlt.s32 v24, v15  }
0xcf: {  	vm9 =	vmor vm9, vm2;
	vm3 =	vmand vm3, vm8;
	vm8 =	vlt.s32 v25, v17  }
0xd0: {  	vm9 =	vmor vm9, vm3;
	vm4 =	vmand vm4, vm8;
	vm8 =	vlt.s32 v26, v18  }
0xd1: {  	vm9 =	vmor vm9, vm4;
	vm5 =	vmand vm5, vm8;
	vm8 =	vlt.s32 v21, v19  }
0xd2: {  	vm9 =	vmor vm9, vm5;
	vm7 =	vmand vm7, vm8;
	vm8 =	vlt.s32 v22, v20  }
0xd3: {  	vm9 =	vmor vm9, vm7;
	vm6 =	vmand vm6, vm8  }
0xd4: {  	vm8 =	vmor vm9, vm6  }
0xd5: {  	v21 =	vsel vm8, $0x1, v4  }
0xd6: {  	v21 =	vor.u32 $0x80000000, v21  }
0xd7: {  	(xrf0) =	vmax.scan.msk.u32 $0xffff, v21;
	_ =	sdelay $0x5  }
0xd8: {  	v21, _, _ =	vpop (xrf0)  }
0xd9: {  	(v2sf) =	vpush v21, $0xF;
	_ =	sdelay $0xe  }
0xda: {  	s31 =	spop (v2sf)  }
0xdb: {  	p1 =	slt.u32 s31, $0x80000001  }
.Ltmp11:
0xdc: {  	_ = 	snop;
	(pc) =	sbr.rel @p1 .LBB2_7-.Ltmp11, $1  }
0xdd: {  	_ =	sdelay $0x3  }
.LBB2_6:
0xde: {  	[tilespmem:v8+s13+$0x0] =	vst.idx.msk vm0, v5  }
0xdf: {  	[tilespmem:v9+s13+$0x0] =	vst.idx.msk vm1, v6  }
0xe0: {  	[tilespmem:v10+s13+$0x0] =	vst.idx.msk vm2, v7  }
0xe1: {  	[tilespmem:v11+s13+$0x0] =	vst.idx.msk vm3, v15  }
0xe2: {  	[tilespmem:v12+s13+$0x0] =	vst.idx.msk vm4, v17  }
0xe3: {  	[tilespmem:v13+s13+$0x0] =	vst.idx.msk vm5, v18  }
0xe4: {  	[tilespmem:v14+s13+$0x0] =	vst.idx.msk vm7, v19  }
0xe5: {  	[tilespmem:v16+s13+$0x0] =	vst.idx.msk vm6, v20  }
0xe6: {  	v21 =	vld.idx.msk [tilespmem:v8+s13+$0x0], vm0  }
0xe7: {  	v22 =	vld.idx.msk [tilespmem:v9+s13+$0x0], vm1  }
0xe8: {  	v23 =	vld.idx.msk [tilespmem:v10+s13+$0x0], vm2  }
0xe9: {  	v24 =	vld.idx.msk [tilespmem:v11+s13+$0x0], vm3  }
0xea: {  	v25 =	vld.idx.msk [tilespmem:v12+s13+$0x0], vm4  }
0xeb: {  	v26 =	vld.idx.msk [tilespmem:v13+s13+$0x0], vm5  }
0xec: {  	vm8 =	vlt.s32 v21, v5;
	vm9 =	vlt.s32 v22, v6;
	v21 =	vld.idx.msk [tilespmem:v14+s13+$0x0], vm7  }
0xed: {  	v22 =	vld.idx.msk [tilespmem:v16+s13+$0x0], vm6;
	vm0 =	vmand vm0, vm8;
	vm1 =	vmand vm1, vm9;
	vm8 =	vlt.s32 v23, v7  }
0xee: {  	vm15 =	vlt.s32 v24, v15;
	vm2 =	vmand vm2, vm8;
	vm8 =	vmor vm0, vm1  }
0xef: {  	vm12 =	vlt.s32 v25, v17;
	vm3 =	vmand vm3, vm15;
	vm8 =	vmor vm8, vm2  }
0xf0: {  	vm13 =	vlt.s32 v26, v18;
	vm4 =	vmand vm4, vm12;
	vm8 =	vmor vm8, vm3  }
0xf1: {  	vm5 =	vmand vm5, vm13;
	vm14 =	vlt.s32 v21, v19;
	vm8 =	vmor vm8, vm4  }
0xf2: {  	vm15 =	vlt.s32 v22, v20;
	vm7 =	vmand vm7, vm14;
	vm8 =	vmor vm8, vm5  }
0xf3: {  	vm6 =	vmand vm6, vm15;
	vm8 =	vmor vm8, vm7  }
0xf4: {  	vm8 =	vmor vm8, vm6  }
0xf5: {  	v21 =	vsel vm8, $0x1, v4  }
0xf6: {  	v21 =	vor.u32 $0x80000000, v21  }
0xf7: {  	(xrf0) =	vmax.scan.msk.u32 $0xffff, v21;
	_ =	sdelay $0x5  }
0xf8: {  	v21, _, _ =	vpop (xrf0)  }
0xf9: {  	(v2sf) =	vpush v21, $0xF;
	_ =	sdelay $0xe  }
0xfa: {  	s17 =	spop (v2sf)  }
0xfb: {  	p1 =	sgt.u32 s17, $0x80000000  }
.Ltmp12:
0xfc: {  	_ = 	snop;
	(pc) =	sbr.rel @p1 .LBB2_6-.Ltmp12, $1  }
0xfd: {  	_ =	sdelay $0x3  }
.Ltmp13:
0xfe: {  	_ = 	snop;
	(pc) =	sbr.rel .LBB2_7-.Ltmp13, $1  }
0xff: {  	_ =	sdelay $0x3  }
.LBB2_8:
.Ltmp14:
0x100: {  	(pc) =	sbr.rel .LBB2_14-.Ltmp14, $2  }
0x101: {  	_ =	sdelay $0x2  }
0x102: {  	s16 =	smov.u32 s7  }
.LBB2_15:
0x103: {  	_ =	sfence.sel $0x180000  }
0x104: {  	[bflag:$0x0] =	sbarrier.arrive $0xFFFF  }
0x105: {  	p0 =	sne.s32 s5, $0x0;
	_ =	strace $0x90000047  }
0x106: {  	s0 =	sadd.s32 @!p0 $0x100000, s0;
	[bflag:$0x2] =	sbarrier.arrive $0xFFFF  }
0x107: {  	[sflag:s0] =	ssyncadd.tile.s32 @!p0 $0x1;
	_ =	shalt  }
.Lfunc_end2:
_tile_overlayer_lowered:
.L_overlay_start_2:
0x108: {  	(tag) =	ssettag $0x2  }
0x109: {  	s0 =	rddreg [dreg:$0x0];
	s2 =	stileid.u32  }
0x10a: {  	s1 =	rddreg [dreg:$0x1];
	p0 =	sne.s32 s2, $0x0  }
0x10b: {  	s3 =	rddreg [dreg:$0x2];
	[bflag:$0x3] =	sbarrier.arrive $0xFFFF;
	s2 =	simm.s32 @!p0 $0x1C01  }
0x10c: {  	[timem:s3], [sflag:s2] =	dma.local @!p0 [hbm:s0], s1  }
0x10d: {  	s0 =	simm.s32 @!p0 $0x1  }
0x10e: {  	_ =	swait.ge @!p0 [sflag:s0], s1  }
0x10f: {  	s1 =	ssub.s32 @!p0 $0x0, s1;
	[sflag:s0] =	ssyncset.done @!p0 $0x0  }
0x110: {  	[sflag:s0] =	ssyncadd.s32 @!p0 s1  }
0x111: {  	[bflag:$0x3] =	sbarrier.arrive $0xFFFF  }
0x112: {  	_ =	shalt  }

// kernel: kernel.8.cloned.1.call-start
scs
__scs_entry_jumppad:
0x0: {  	(pc) =	sbr.rel $0x88, $3  }
0x1: {  	(tag) =	ssettag $0x0;
	lr =	simm.s32 $0x1  }
0x2: {  	[smem:$0x3F95] =	sst lr;
	_ =	strace $0xD0000000  }
0x3: {  	_ = 	snop  }
0x4: {  	_ = 	snop  }
0x5: {  	_ = 	snop  }
0x6: {  	_ = 	snop  }
0x7: {  	_ = 	snop  }
__scs_overlays_trampoline_lowered:
0x8: {  	[smem:$0x3FA4] =	sst s0  }
0x9: {  	[smem:$0x3FA5] =	sst s1  }
0xa: {  	[smem:$0x3FA6] =	sst s2  }
0xb: {  	[smem:$0x3FA7] =	sst s3  }
0xc: {  	[smem:$0x3FA8] =	sst s4  }
0xd: {  	[smem:$0x3FA9] =	sst s5  }
0xe: {  	[smem:$0x3FAA] =	sst s6  }
0xf: {  	[smem:$0x3FAB] =	sst s7  }
0x10: {  	[smem:$0x3FAC] =	sst s8  }
0x11: {  	[smem:$0x3FAD] =	sst s9;
	s0 =	simm.s32 @!p0 $0x0  }
0x12: {  	s1 =	sld [smem:$0x3F93];
	s0 =	simm.s32 @p0 $0x1  }
0x13: {  	[smem:$0x3FAE] =	sst s0;
	s0 =	simm.s32 @!p1 $0x0  }
0x14: {  	s2 =	sld [smem:$0x3F92];
	s0 =	simm.s32 @p1 $0x1  }
0x15: {  	[smem:$0x3FAF] =	sst s0;
	s0 =	simm.s32 @!p2 $0x0  }
0x16: {  	s3 =	sld [smem:$0x3FDB];
	s0 =	simm.s32 @p2 $0x1  }
0x17: {  	s4 =	simm.s32 $0x1BF5;
	[smem:$0x3FB1] =	sst s0  }
0x18: {  	s0 =	sld [smem:$0x3F94];
	_ =	swait.ge [sflag:s4], $0x0  }
0x19: {  	s7 =	sld [smem:$0x3F95]  }
0x1a: {  	s8 =	sadd.s32 $0xFFFFE003, lr  }
0x1b: {  	s9 =	sadd.s32 $0xFFFFFEF7, lr;
	s5 =	simm.s32 $0xFFFFFFFF;
	p2 =	slt.u32 s8, $0xFFFFF086  }
0x1c: {  	p1 =	slt.u32 s9, $0xF7A;
	s5 =	simm.s32 @!p2 $0x0  }
0x1d: {  	s5 =	simm.s32 @p1 $0x1;
	p0 =	seq.s32 s7, s2  }
0x1e: {  	s7 =	smul.u32 @!p0 $0xF7A, s2;
	p2 =	seq.s32 @!p0 s5, $0x0  }
0x1f: {  	s9 =	smul.u32 $0xF7A, s1;
	s8 =	simm.s32 @!p0 $0x1BF5;
	p2 =	por !p2, p0  }
0x20: {  	[sflag:s8] =	ssyncset.s32 @!p0 $0xFFFFF086;
	s6 =	sadd.s32 @!p0 s3, s7;
	s7 =	simm.s32 @!p0 $0x108  }
0x21: {  	s3 =	sadd.s32 s3, s9;
	s6 =	sadd.s32 @!p0 $0x88, s6;
	s7 =	simm.s32 @p2 $0x1082  }
0x22: {  	[simem:s7], [sflag:s8] =	dma.local @!p0 [hbm:s6], $0xF7A  }
0x23: {  	s9 =	sor.u32 $0xD0000000, s2;
	s6 =	simm.s32 $0x108;
	_ =	swait.ge @!p0 [sflag:s8], $0x0  }
0x24: {  	s3 =	sadd.s32 $0x88, s3;
	s6 =	simm.s32 @!p1 $0x1082;
	[sflag:s4] =	ssyncset.s32 $0xFFFFF086  }
0x25: {  	[simem:s6], [sflag:s4] =	dma.local [hbm:s3], $0xF7A  }
0x26: {  	[smem:$0x3F95] =	sst s1;
	(tag) =	ssettag s2;
	_ =	strace s9  }
0x27: {  	s1 =	sld [smem:$0x3FA5]  }
0x28: {  	s2 =	sld [smem:$0x3FA6]  }
0x29: {  	s4 =	sld [smem:$0x3FA8]  }
0x2a: {  	p0 =	seq.s32 s5, $0x0;
	s5 =	sld [smem:$0x3FA9]  }
0x2b: {  	s6 =	sld [smem:$0x3FAA]  }
0x2c: {  	s7 =	sld [smem:$0x3FAB]  }
0x2d: {  	s3 =	simm.s32 $0x108;
	s8 =	sld [smem:$0x3FAC]  }
0x2e: {  	s3 =	simm.s32 @!p0 $0x1082;
	s9 =	sld [smem:$0x3FAD]  }
0x2f: {  	lr =	sadd.s32 s0, s3;
	s0 =	sld [smem:$0x3FA4]  }
0x30: {  	s3 =	sld [smem:$0x3FA7]  }
0x31: {  	[smem:$0x3FB0] =	sst s10  }
0x32: {  	s10 =	sld [smem:$0x3FAE];
	_ =	sdelay $0x3  }
0x33: {  	p0 =	seq.s32 s10, $0x1;
	s10 =	sld [smem:$0x3FB0];
	_ =	sdelay $0x3  }
0x34: {  	[smem:$0x3FB0] =	sst s10  }
0x35: {  	s10 =	sld [smem:$0x3FAF];
	_ =	sdelay $0x3  }
0x36: {  	p1 =	seq.s32 s10, $0x1;
	s10 =	sld [smem:$0x3FB0];
	_ =	sdelay $0x3  }
0x37: {  	[smem:$0x3FB0] =	sst s10  }
0x38: {  	s10 =	sld [smem:$0x3FB1]  }
0x39: {  	_ = 	snop;
	(pc) =	sbr.ind lr, $3  }
0x3a: {  	_ = 	snop  }
0x3b: {  	_ = 	snop  }
0x3c: {  	p2 =	seq.s32 s10, $0x1;
	s10 =	sld [smem:$0x3FB0]  }
0x3d: {  	_ =	shalt  }
0x3e: {  	_ =	shalt  }
0x3f: {  	_ =	shalt  }
0x40: {  	_ =	shalt  }
0x41: {  	_ =	shalt  }
0x42: {  	_ =	shalt  }
0x43: {  	_ =	shalt  }
0x44: {  	_ =	shalt  }
0x45: {  	_ =	shalt  }
0x46: {  	_ =	shalt  }
0x47: {  	_ =	shalt  }
0x48: {  	_ =	shalt  }
0x49: {  	_ =	shalt  }
0x4a: {  	_ =	shalt  }
0x4b: {  	_ =	shalt  }
0x4c: {  	_ =	shalt  }
0x4d: {  	_ =	shalt  }
0x4e: {  	_ =	shalt  }
0x4f: {  	_ =	shalt  }
0x50: {  	_ =	shalt  }
0x51: {  	_ =	shalt  }
0x52: {  	_ =	shalt  }
0x53: {  	_ =	shalt  }
0x54: {  	_ =	shalt  }
0x55: {  	_ =	shalt  }
0x56: {  	_ =	shalt  }
0x57: {  	_ =	shalt  }
0x58: {  	_ =	shalt  }
0x59: {  	_ =	shalt  }
0x5a: {  	_ =	shalt  }
0x5b: {  	_ =	shalt  }
0x5c: {  	_ =	shalt  }
0x5d: {  	_ =	shalt  }
0x5e: {  	_ =	shalt  }
0x5f: {  	_ =	shalt  }
0x60: {  	_ =	shalt  }
0x61: {  	_ =	shalt  }
0x62: {  	_ =	shalt  }
0x63: {  	_ =	shalt  }
0x64: {  	_ =	shalt  }
0x65: {  	_ =	shalt  }
0x66: {  	_ =	shalt  }
0x67: {  	_ =	shalt  }
0x68: {  	_ =	shalt  }
0x69: {  	_ =	shalt  }
0x6a: {  	_ =	shalt  }
0x6b: {  	_ =	shalt  }
0x6c: {  	_ =	shalt  }
0x6d: {  	_ =	shalt  }
0x6e: {  	_ =	shalt  }
0x6f: {  	_ =	shalt  }
0x70: {  	_ =	shalt  }
0x71: {  	_ =	shalt  }
0x72: {  	_ =	shalt  }
0x73: {  	_ =	shalt  }
0x74: {  	_ =	shalt  }
0x75: {  	_ =	shalt  }
0x76: {  	_ =	shalt  }
0x77: {  	_ =	shalt  }
0x78: {  	_ =	shalt  }
0x79: {  	_ =	shalt  }
0x7a: {  	_ =	shalt  }
0x7b: {  	_ =	shalt  }
0x7c: {  	_ =	shalt  }
0x7d: {  	_ =	shalt  }
0x7e: {  	_ =	shalt  }
0x7f: {  	_ =	shalt  }
0x80: {  	_ =	shalt  }
0x81: {  	_ =	shalt  }
0x82: {  	_ =	shalt  }
0x83: {  	_ =	shalt  }
0x84: {  	_ =	shalt  }
0x85: {  	_ =	shalt  }
0x86: {  	_ =	shalt  }
0x87: {  	_ =	shalt  }
.Lfunc_end0:
.L_simem_size_0:
called_computation.1_lowered:
.L_overlay_start_0:
0x88: {  	s2 =	sld [smem:$0x3FD9]  }
0x89: {  	s3 =	sld [smem:$0x3FFE];
	_ =	sdelay $0x1  }
0x8a: {  	s1 =	srdreg.scid  }
0x8b: {  	s0 =	sand.u32 $0x1, s1  }
0x8c: {  	s17 =	sshll.u32 s0, $0xA;
	s2 =	sadd.s32 s3, s2  }
0x8d: {  	s2 =	sadd.s32 s2, s17  }
0x8e: {  	[smem:$0x3FBC] =	sst s2  }
0x8f: {  	_ = 	snop  }
0x90: {  	s2 =	sld [smem:$0x3FD0];
	(tm) =	ssettm $0x1  }
0x91: {  	s18 =	sld [smem:$0x3FFB];
	_ =	sdelay $0x3  }
0x92: {  	_ =	strace s18  }
0x93: {  	s3 =	sld [smem:$0x3FFC];
	_ =	sdelay $0x3  }
0x94: {  	_ =	strace s3  }
0x95: {  	s3 =	sld [smem:$0x3FFD];
	_ =	sdelay $0x3  }
0x96: {  	_ =	strace s3  }
0x97: {  	_ =	strace $0x8FFFFFFF  }
0x98: {  	s19 =	sld [smem:$0x3FDB];
	_ =	sdelay $0x1  }
0x99: {  	s4 =	simm.s32 $_scs_section_size  }
0x9a: {  	s5 =	simm.s32 $_size__tile_overlayer_lowered;
	s6 =	simm.s32 $_tile_overlayer_lowered  }
0x9b: {  	s22 =	simm.s32 $0x1BFF;
	s21 =	sshll.u32 s6, $0x1;
	s3 =	sadd.s32 s4, s19  }
0x9c: {  	s7 =	simm.s32 $0x0;
	s20 =	sshll.u32 s5, $0x1;
	s5 =	sadd.s32 s21, s3  }
0x9d: {  	[timem:s7], [sflag:s22] =	dma.local [hbm:s5], s20  }
0x9e: {  	_ =	swait.ge [sflag:s22], s20  }
0x9f: {  	s4 =	ssub.s32 $0x0, s20;
	[sflag:s22] =	ssyncset.done $0x0  }
0xa0: {  	[sflag:s22] =	ssyncadd.s32 s4;
	_ =	sdelay $0x1  }
0xa1: {  	s23 =	simm.s32 $0x1B8B  }
0xa2: {  	_ =	swait.ge [sflag:s23], $0x1  }
0xa3: {  	[sflag:s23] =	ssyncset.done $0x0  }
0xa4: {  	s25 =	simm.s32 $0x1B8E;
	s24 =	sld [smem:$0x3FFE];
	[sflag:s23] =	ssyncadd.s32 $0xFFFFFFFF  }
0xa5: {  	s26 =	simm.s32 $execute0_lowered;
	[smem:$0x3FD2] =	sst s25  }
0xa6: {  	s5 =	sshll.u32 s26, $0x1;
	_ =	strace $0x80000049;
	[dreg:$0x1] =	wrdreg $0xFFFFFFFF  }
0xa7: {  	s28 =	simm.s32 $_size_execute0_lowered;
	s3 =	sadd.s32 s3, s5;
	[dreg:$0x0] =	wrdreg $0x0  }
0xa8: {  	s5 =	sshll.u32 s28, $0x1;
	[dreg:$0x2] =	wrdreg s3  }
0xa9: {  	[dreg:$0x3] =	wrdreg s5  }
0xaa: {  	[dreg:$0x4] =	wrdreg $0xC0  }
0xab: {  	_ =	task [dreg:s7], $0x5FFFF  }
0xac: {  	[dreg:$0x1] =	wrdreg $0xFFFFFFFF  }
0xad: {  	[dreg:$0x0] =	wrdreg $0x60  }
0xae: {  	[dreg:$0x2] =	wrdreg s24  }
0xaf: {  	[dreg:$0x3] =	wrdreg s2  }
0xb0: {  	[dreg:$0x4] =	wrdreg $0x9  }
0xb1: {  	_ =	task.clear_ibuf [dreg:s7], $0x5FFFF;
	_ =	strace $0x90000049  }
0xb2: {  	s29 =	simm.s32 $0x9;
	_ =	strace $0x8000004B  }
0xb3: {  	_ =	swait.ge [sflag:s29], $0x1  }
0xb4: {  	[sflag:s29] =	ssyncadd.s32 $0xFFFFFFFF  }
0xb5: {  	_ =	strace $0x9000004B  }
0xb6: {  	_ =	sfence  }
0xb7: {  	s30 =	sld [smem:$0x0];
	_ =	sdelay $0x2  }
0xb8: {  	s31 =	sshll.u32 s1, $0xD;
	s1 =	sshrl.u32 s1, $0x2  }
0xb9: {  	s3 =	sand.u32 $0x4000, s31;
	s1 =	sadd.s32 s1, s30  }
0xba: {  	s0 =	sor.u32 s3, s0;
	s1 =	sshll.u32 s1, $0x11  }
0xbb: {  	s0 =	sor.u32 s1, s0  }
0xbc: {  	s0 =	sadd.s32 $0x8F2B, s0  }
0xbd: {  	[sflag:s0] =	ssyncadd.remote.s32 $0x1  }
0xbe: {  	_ =	sfence.sel $0xFFFF  }
0xbf: {  	[dreg:$0x0] =	wrdreg $0xFFFFFFFF;
	(pc) =	sbr.abs _section_cstart, $3  }
0xc0: {  	[dreg:$0x1] =	wrdreg $0xFFFFFFFF  }
0xc1: {  	_ =	task.clear_ibuf [dreg:s7], $0x2FFFF;
	_ =	strace $0x9FFFFFFF  }
0xc2: {  	(tm) =	ssettm $0x7FFFFFFF  }
0xc3: {  	_ =	shalt  }
tec
execute0_lowered:
.L_overlay_start_1:
0x0: {  	(tag) =	ssettag $0x1  }
0x1: {  	s0 =	srdreg.scid  }
0x2: {  	s8 =	stileid.u32;
	s1 =	rddreg [dreg:$0x0]  }
0x3: {  	s11 =	rddreg [dreg:$0x1];
	s15 =	simm.s32 $0x50;
	s16 =	simm.s32 $0xCE80  }
0x4: {  	s17 =	simm.s32 $0xD500;
	s18 =	simm.s32 $0xCED0;
	s19 =	simm.s32 $0xFD00  }
0x5: {  	s20 =	simm.s32 $0xCF20;
	s21 =	simm.s32 $0x12500;
	s22 =	simm.s32 $0x14D00  }
0x6: {  	s23 =	simm.s32 $0x1;
	s24 =	simm.s32 $0x2;
	s12 =	smul.u32 $0xC80, s8  }
0x7: {  	s25 =	simm.s32 $0x3;
	s0 =	sand.u32 $0x1, s0;
	s14 =	smul.u32 $0xC800, s8  }
0x8: {  	s28 =	simm.s32 $0xD470;
	s2 =	sshll.u32 s8, $0x1;
	s13 =	smul.u32 $0x640, s0  }
0x9: {  	s4 =	sor.u32 s0, s2;
	s6 =	ssub.s32 $0x2, s0;
	s0 =	smul.u32 $0x6400, s0  }
0xa: {  	s29 =	simm.s32 $0x0;
	s2 =	simm.s32 $0x0;
	s5 =	smul.u32 $0x640, s4  }
0xb: {  	s3 =	sadd.s32 $0x5000, s1;
	[smem:$0x7FF] =	sst s2;
	s7 =	smul.u32 $0x6400, s4  }
0xc: {  	s4 =	sadd.s32 $0x3600, s1;
	s26 =	sshrl.u32 s6, $0x1;
	s31 =	sadd.s32 s14, s11  }
0xd: {  	_ =	strace $0x8000004A;
	s5 =	sshrl.u32 s5, $0x3;
	s30 =	sadd.s32 s11, s7  }
0xe: {  	s11 =	sadd.s32 s13, s12;
	s12 =	sadd.s32 s0, s31;
	s13 =	simm.s32 $0x5  }
0xf: {  	s5 =	sadd.s32 s5, s1;
	s1 =	ssub.s32 s6, s26;
	s7 =	sadd.s32 $0x5000, s30  }
0x10: {  	s8 =	sadd.s32 $0x5500, s30;
	s9 =	sadd.s32 $0x5A00, s30;
	s10 =	sadd.s32 $0x5F00, s30  }
0x11: {  	v0 =	vlaneseq.u32;
	s26 =	simm.s32 $0x4;
	s5 =	sadd.s32 $0x1C00, s5;
	s6 =	smax.u32 s1, $0x1  }
.LBB2_1:
0x12: {  	[tilespmem:s2], [sflag:$0x5] =	stream.linear.gather [hbm4b:s4+s2], $0xC800, $0x38;
	[tilespmem:$0x17500] =	vst v63  }
0x13: {  	_ =	swait.ge [sflag:s13], $0xC800  }
0x14: {  	[sflag:s13] =	ssyncset.done $0x0  }
0x15: {  	s0 =	simm.s32 $0xC800;
	[sflag:s13] =	ssyncadd.s32 $0xFFFF3800  }
0x16: {  	[tilespmem:s0], [sflag:$0x5] =	stream.linear.gather [hbm4b:s5+s2], $0x640, $0x38;
	[tilespmem:$0x17500] =	vst v63  }
0x17: {  	_ =	swait.ge [sflag:s13], $0x640  }
0x18: {  	[sflag:s13] =	ssyncset.done $0x0  }
0x19: {  	s31 =	simm.s32 $0x0;
	[sflag:s13] =	ssyncadd.s32 $0xFFFFF9C0  }
0x1a: {  	v3 =	vld [tilespmem:s31+$0xC800];
	_ =	sdelay $0x4  }
0x1b: {  	v4 =	vor.u32 s11, v0;
	vm0 =	vlt.s32 v3, $0x0  }
0x1c: {  	v1 =	vsel vm0, v4, v3;
	_ =	sdelay $0x4  }
0x1d: {  	s30 =	simm.s32 $0x10;
	v5 =	vld.idx.msk [tilespmem:v1+s2+$0x0], $0xffff  }
0x1e: {  	v1 =	vld [tilespmem:s30+$0xC800];
	_ =	sdelay $0x3  }
0x1f: {  	s1 =	sadd.s32 $0x10, s11  }
0x20: {  	v2 =	vor.u32 s1, v0;
	v3 =	vor.u32 v3, v5;
	vm15 =	vlt.s32 v1, $0x0  }
0x21: {  	vm1 =	vlt.s32 v3, $0x0;
	v3 =	vsel vm15, v2, v1  }
0x22: {  	v4 =	vand.u32 $0x3FF, v4  }
0x23: {  	v4 =	vor.u32 $0xC800, v4  }
0x24: {  	s14 =	simm.s32 $0xC0;
	s0 =	simm.s32 $0x20;
	v4 =	vsel vm1, v4, v5  }
.LBB2_2:
0x25: {  	p0 =	sne.s32 s14, $0x18C0;
	v5 =	vld [tilespmem:s0+$0xC800];
	[tilespmem:s31+$0xCE80] =	vst v4;
	s31 =	smov.u32 s30;
	s30 =	smov.u32 s0  }
0x26: {  	v4 =	vld.idx.msk [tilespmem:v3+s2+$0x0], $0xffff;
	_ =	sdelay $0x2  }
0x27: {  	s1 =	sadd.s32 $0x10, s1  }
.Ltmp0:
0x28: {  	v6 =	vor.u32 s1, v0;
	vm0 =	vlt.s32 v5, $0x0;
	(pc) =	sbr.rel @p0 .LBB2_2-.Ltmp0, $4  }
0x29: {  	v3 =	vsel vm0, v6, v5  }
0x2a: {  	v8 =	vand.u32 $0x3FF, v2;
	v2 =	vmovc v6;
	v7 =	vor.u32 v1, v4;
	v1 =	vmov v5  }
0x2b: {  	v5 =	vor.u32 $0xC800, v8;
	vm0 =	vlt.s32 v7, $0x0  }
0x2c: {  	s0 =	sshra.s32 s14, $0x2;
	s14 =	sadd.s32 $0x40, s14;
	v4 =	vsel vm0, v5, v4  }
0x2d: {  	_ =	sdelay $0x1  }
0x2e: {  	v5 =	vld [tilespmem:s0+$0xC800]  }
0x2f: {  	[tilespmem:s31+$0xCE80] =	vst v4  }
0x30: {  	v3 =	vld.idx.msk [tilespmem:v3+s2+$0x0], $0xffff;
	_ =	sdelay $0x1  }
0x31: {  	s1 =	sadd.s32 $0x10, s1  }
0x32: {  	v63 =	vor.u32 s1, v0;
	vm0 =	vlt.s32 v5, $0x0  }
0x33: {  	v6 =	vsel vm0, v63, v5  }
0x34: {  	v2 =	vand.u32 $0x3FF, v2;
	v1 =	vor.u32 v1, v3  }
0x35: {  	v2 =	vor.u32 $0xC800, v2;
	vm14 =	vlt.s32 v1, $0x0  }
0x36: {  	v1 =	vsel vm14, v2, v3  }
0x37: {  	[tilespmem:s30+$0xCE80] =	vst v1  }
0x38: {  	v1 =	vld.idx.msk [tilespmem:v6+s2+$0x0], $0xffff;
	_ =	sdelay $0x4  }
0x39: {  	v3 =	vand.u32 $0x3FF, v63;
	v2 =	vor.u32 v5, v1  }
0x3a: {  	v3 =	vor.u32 $0xC800, v3;
	vm15 =	vlt.s32 v2, $0x0  }
0x3b: {  	v1 =	vsel vm15, v3, v1  }
0x3c: {  	[tilespmem:s0+$0xCE80] =	vst v1  }
0x3d: {  	[tilespmem:s17], [sflag:$0x1] =	stream.indirect.gather [hbm4b:s3+s15], $0x80, s16, s15, $0xb8;
	[tilespmem:$0x17500] =	vst v63  }
0x3e: {  	_ = 	snop  }
0x3f: {  	[tilespmem:s19], [sflag:$0x2] =	stream.indirect.gather [hbm4b:s3+s15], $0x80, s18, s15, $0xb8;
	[tilespmem:$0x17500] =	vst v63  }
0x40: {  	_ = 	snop  }
0x41: {  	[tilespmem:s21], [sflag:$0x3] =	stream.indirect.gather [hbm4b:s3+s15], $0x80, s20, s15, $0xb8;
	[tilespmem:$0x17500] =	vst v63  }
0x42: {  	s30 =	simm.s32 $0xCF70  }
0x43: {  	[tilespmem:s22], [sflag:$0x4] =	stream.indirect.gather [hbm4b:s3+s15], $0x80, s30, s15, $0xb8;
	[tilespmem:$0x17500] =	vst v63  }
0x44: {  	_ =	swait.ge [sflag:s23], $0x2800  }
0x45: {  	[sflag:s23] =	ssyncset.done $0x0  }
0x46: {  	s0 =	sadd.s32 $0x0, s12;
	[sflag:s23] =	ssyncadd.s32 $0xFFFFD800  }
0x47: {  	[hbm4b:s0+s2] =	stream.linear.scatter [tilespmem:s17], [sflag:$0x5], $0x2800, $0x38;
	[tilespmem:$0x17500] =	vst v63  }
0x48: {  	_ =	swait.ge [sflag:s13], $0x2800  }
0x49: {  	[sflag:s13] =	ssyncset.done $0x0  }
0x4a: {  	s14 =	simm.s32 $0xCFC0;
	[sflag:s13] =	ssyncadd.s32 $0xFFFFD800  }
0x4b: {  	[tilespmem:s17], [sflag:$0x1] =	stream.indirect.gather [hbm4b:s3+s15], $0x80, s14, s15, $0xb8;
	[tilespmem:$0x17500] =	vst v63  }
0x4c: {  	_ =	swait.ge [sflag:s24], $0x2800  }
0x4d: {  	[sflag:s24] =	ssyncset.done $0x0  }
0x4e: {  	s14 =	sadd.s32 $0x500, s0;
	[sflag:s24] =	ssyncadd.s32 $0xFFFFD800  }
0x4f: {  	[hbm4b:s14+s2] =	stream.linear.scatter [tilespmem:s19], [sflag:$0x5], $0x2800, $0x38;
	[tilespmem:$0x17500] =	vst v63  }
0x50: {  	_ =	swait.ge [sflag:s13], $0x2800  }
0x51: {  	[sflag:s13] =	ssyncset.done $0x0  }
0x52: {  	s14 =	simm.s32 $0xD010;
	[sflag:s13] =	ssyncadd.s32 $0xFFFFD800  }
0x53: {  	[tilespmem:s19], [sflag:$0x2] =	stream.indirect.gather [hbm4b:s3+s15], $0x80, s14, s15, $0xb8;
	[tilespmem:$0x17500] =	vst v63  }
0x54: {  	_ =	swait.ge [sflag:s25], $0x2800  }
0x55: {  	[sflag:s25] =	ssyncset.done $0x0  }
0x56: {  	s14 =	sadd.s32 $0xA00, s0;
	[sflag:s25] =	ssyncadd.s32 $0xFFFFD800  }
0x57: {  	[hbm4b:s14+s2] =	stream.linear.scatter [tilespmem:s21], [sflag:$0x5], $0x2800, $0x38;
	[tilespmem:$0x17500] =	vst v63  }
0x58: {  	_ =	swait.ge [sflag:s13], $0x2800  }
0x59: {  	[sflag:s13] =	ssyncset.done $0x0  }
0x5a: {  	s14 =	simm.s32 $0xD060;
	[sflag:s13] =	ssyncadd.s32 $0xFFFFD800  }
0x5b: {  	[tilespmem:s21], [sflag:$0x3] =	stream.indirect.gather [hbm4b:s3+s15], $0x80, s14, s15, $0xb8;
	[tilespmem:$0x17500] =	vst v63  }
0x5c: {  	_ =	swait.ge [sflag:s26], $0x2800  }
0x5d: {  	[sflag:s26] =	ssyncset.done $0x0  }
0x5e: {  	s0 =	sadd.s32 $0xF00, s0;
	[sflag:s26] =	ssyncadd.s32 $0xFFFFD800  }
0x5f: {  	[hbm4b:s0+s2] =	stream.linear.scatter [tilespmem:s22], [sflag:$0x5], $0x2800, $0x38;
	[tilespmem:$0x17500] =	vst v63  }
0x60: {  	_ =	swait.ge [sflag:s13], $0x2800  }
0x61: {  	s31 =	simm.s32 $0x1400;
	[sflag:s13] =	ssyncset.done $0x0  }
.LBB2_4:
0x62: {  	p0 =	sne.s32 s31, $0x3C00;
	[sflag:s13] =	ssyncadd.s32 $0xFFFFD800;
	s30 =	sadd.s32 $0x140, s30  }
0x63: {  	[tilespmem:s22], [sflag:$0x4] =	stream.indirect.gather [hbm4b:s3+s15], $0x80, s30, s15, $0xb8;
	[tilespmem:$0x17500] =	vst v63  }
0x64: {  	s0 =	smov.u32 s31;
	s31 =	sadd.s32 $0x1400, s31;
	_ =	swait.ge [sflag:s23], $0x2800  }
0x65: {  	[sflag:s23] =	ssyncset.done $0x0  }
0x66: {  	s0 =	sadd.s32 s0, s12;
	[sflag:s23] =	ssyncadd.s32 $0xFFFFD800  }
0x67: {  	[hbm4b:s0+s2] =	stream.linear.scatter [tilespmem:s17], [sflag:$0x5], $0x2800, $0x38;
	[tilespmem:$0x17500] =	vst v63  }
0x68: {  	_ =	swait.ge [sflag:s13], $0x2800  }
0x69: {  	[sflag:s13] =	ssyncset.done $0x0  }
0x6a: {  	s1 =	sadd.s32 $0x50, s30;
	[sflag:s13] =	ssyncadd.s32 $0xFFFFD800  }
0x6b: {  	[tilespmem:s17], [sflag:$0x1] =	stream.indirect.gather [hbm4b:s3+s15], $0x80, s1, s15, $0xb8;
	[tilespmem:$0x17500] =	vst v63  }
0x6c: {  	_ =	swait.ge [sflag:s24], $0x2800  }
0x6d: {  	[sflag:s24] =	ssyncset.done $0x0  }
0x6e: {  	s1 =	sadd.s32 $0x500, s0;
	[sflag:s24] =	ssyncadd.s32 $0xFFFFD800  }
0x6f: {  	[hbm4b:s1+s2] =	stream.linear.scatter [tilespmem:s19], [sflag:$0x5], $0x2800, $0x38;
	[tilespmem:$0x17500] =	vst v63  }
0x70: {  	_ =	swait.ge [sflag:s13], $0x2800  }
0x71: {  	[sflag:s13] =	ssyncset.done $0x0  }
0x72: {  	s1 =	sadd.s32 $0xA0, s30;
	[sflag:s13] =	ssyncadd.s32 $0xFFFFD800  }
0x73: {  	[tilespmem:s19], [sflag:$0x2] =	stream.indirect.gather [hbm4b:s3+s15], $0x80, s1, s15, $0xb8;
	[tilespmem:$0x17500] =	vst v63  }
0x74: {  	_ =	swait.ge [sflag:s25], $0x2800  }
0x75: {  	[sflag:s25] =	ssyncset.done $0x0  }
0x76: {  	s1 =	sadd.s32 $0xA00, s0;
	[sflag:s25] =	ssyncadd.s32 $0xFFFFD800  }
0x77: {  	[hbm4b:s1+s2] =	stream.linear.scatter [tilespmem:s21], [sflag:$0x5], $0x2800, $0x38;
	[tilespmem:$0x17500] =	vst v63  }
0x78: {  	_ =	swait.ge [sflag:s13], $0x2800  }
0x79: {  	[sflag:s13] =	ssyncset.done $0x0  }
0x7a: {  	s1 =	sadd.s32 $0xF0, s30;
	[sflag:s13] =	ssyncadd.s32 $0xFFFFD800  }
0x7b: {  	[tilespmem:s21], [sflag:$0x3] =	stream.indirect.gather [hbm4b:s3+s15], $0x80, s1, s15, $0xb8;
	[tilespmem:$0x17500] =	vst v63  }
0x7c: {  	_ =	swait.ge [sflag:s26], $0x2800  }
.Ltmp1:
0x7d: {  	[sflag:s26] =	ssyncset.done $0x0;
	(pc) =	sbr.rel @p0 .LBB2_4-.Ltmp1, $4  }
0x7e: {  	s0 =	sadd.s32 $0xF00, s0;
	[sflag:s26] =	ssyncadd.s32 $0xFFFFD800  }
0x7f: {  	[hbm4b:s0+s2] =	stream.linear.scatter [tilespmem:s22], [sflag:$0x5], $0x2800, $0x38;
	[tilespmem:$0x17500] =	vst v63  }
0x80: {  	_ =	swait.ge [sflag:s13], $0x2800  }
0x81: {  	[sflag:s13] =	ssyncset.done $0x0  }
0x82: {  	[sflag:s13] =	ssyncadd.s32 $0xFFFFD800  }
0x83: {  	[tilespmem:s22], [sflag:$0x4] =	stream.indirect.gather [hbm4b:s3+s15], $0x80, s28, s15, $0xb8;
	[tilespmem:$0x17500] =	vst v63  }
0x84: {  	_ =	swait.ge [sflag:s23], $0x2800  }
0x85: {  	[sflag:s23] =	ssyncset.done $0x0  }
0x86: {  	[sflag:s23] =	ssyncadd.s32 $0xFFFFD800  }
0x87: {  	[hbm4b:s7+s2] =	stream.linear.scatter [tilespmem:s17], [sflag:$0x5], $0x2800, $0x38;
	[tilespmem:$0x17500] =	vst v63  }
0x88: {  	_ =	swait.ge [sflag:s13], $0x2800  }
0x89: {  	[sflag:s13] =	ssyncset.done $0x0  }
0x8a: {  	[sflag:s13] =	ssyncadd.s32 $0xFFFFD800  }
0x8b: {  	_ =	swait.ge [sflag:s24], $0x2800  }
0x8c: {  	[sflag:s24] =	ssyncset.done $0x0  }
0x8d: {  	[sflag:s24] =	ssyncadd.s32 $0xFFFFD800  }
0x8e: {  	[hbm4b:s8+s2] =	stream.linear.scatter [tilespmem:s19], [sflag:$0x5], $0x2800, $0x38;
	[tilespmem:$0x17500] =	vst v63  }
0x8f: {  	_ =	swait.ge [sflag:s13], $0x2800  }
0x90: {  	[sflag:s13] =	ssyncset.done $0x0  }
0x91: {  	[sflag:s13] =	ssyncadd.s32 $0xFFFFD800  }
0x92: {  	_ =	swait.ge [sflag:s25], $0x2800  }
0x93: {  	[sflag:s25] =	ssyncset.done $0x0  }
0x94: {  	[sflag:s25] =	ssyncadd.s32 $0xFFFFD800  }
0x95: {  	[hbm4b:s9+s2] =	stream.linear.scatter [tilespmem:s21], [sflag:$0x5], $0x2800, $0x38;
	[tilespmem:$0x17500] =	vst v63  }
0x96: {  	_ =	swait.ge [sflag:s13], $0x2800  }
0x97: {  	[sflag:s13] =	ssyncset.done $0x0  }
0x98: {  	[sflag:s13] =	ssyncadd.s32 $0xFFFFD800  }
0x99: {  	s29 =	sadd.s32 $0x1, s29;
	_ =	swait.ge [sflag:s26], $0x2800  }
0x9a: {  	p0 =	sne.s32 s29, s6;
	[sflag:s26] =	ssyncset.done $0x0  }
.Ltmp2:
0x9b: {  	[sflag:s26] =	ssyncadd.s32 $0xFFFFD800;
	(pc) =	sbr.rel @p0 .LBB2_1-.Ltmp2, $4  }
0x9c: {  	[hbm4b:s10+s2] =	stream.linear.scatter [tilespmem:s22], [sflag:$0x5], $0x2800, $0x38;
	[tilespmem:$0x17500] =	vst v63  }
0x9d: {  	_ =	swait.ge [sflag:s13], $0x2800  }
0x9e: {  	[sflag:s13] =	ssyncset.done $0x0  }
0x9f: {  	[sflag:s13] =	ssyncadd.s32 $0xFFFFD800  }
0xa0: {  	_ =	sfence.sel $0x180000  }
0xa1: {  	[bflag:$0x0] =	sbarrier.arrive $0xFFFF  }
0xa2: {  	_ =	strace $0x9000004A  }
0xa3: {  	s0 =	stileid.u32;
	[bflag:$0x2] =	sbarrier.arrive $0xFFFF  }
0xa4: {  	p0 =	sne.s32 s0, $0x0;
	s0 =	rddreg [dreg:$0x2]  }
0xa5: {  	s0 =	sadd.s32 @!p0 $0x100000, s0  }
0xa6: {  	[sflag:s0] =	ssyncadd.tile.s32 @!p0 $0x1;
	_ =	shalt  }
.Lfunc_end2:
_tile_overlayer_lowered:
.L_overlay_start_2:
0xa7: {  	(tag) =	ssettag $0x2  }
0xa8: {  	s0 =	rddreg [dreg:$0x0];
	s2 =	stileid.u32  }
0xa9: {  	s1 =	rddreg [dreg:$0x1];
	p0 =	sne.s32 s2, $0x0  }
0xaa: {  	s3 =	rddreg [dreg:$0x2];
	[bflag:$0x3] =	sbarrier.arrive $0xFFFF;
	s2 =	simm.s32 @!p0 $0x1C05  }
0xab: {  	[timem:s3], [sflag:s2] =	dma.local @!p0 [hbm:s0], s1  }
0xac: {  	s0 =	simm.s32 @!p0 $0x5  }
0xad: {  	_ =	swait.ge @!p0 [sflag:s0], s1  }
0xae: {  	s1 =	ssub.s32 @!p0 $0x0, s1;
	[sflag:s0] =	ssyncset.done @!p0 $0x0  }
0xaf: {  	[sflag:s0] =	ssyncadd.s32 @!p0 s1  }
0xb0: {  	[bflag:$0x3] =	sbarrier.arrive $0xFFFF  }
0xb1: {  	_ =	shalt  }

</sc_bundles>
